<compile_context>
chip_gen: v7x
topology: tpu7x:2x2x1
jax: 0.10.2.dev20260603
libtpu: 0.0.44.dev20260713+nightly
codegen_flags: <defaults>
</compile_context>

<pallas_src>
import functools

import jax
import jax.numpy as jnp
from jax import lax
from jax.experimental import pallas as pl
from jax.experimental.pallas import tpu as pltpu
from jax.experimental.pallas import tpu_sc as plsc

NC = 2
NS = 16
L = 16
NW = NC * NS
B = 16384
D = 64
BW = B // NW
CHUNK = 128
NCHUNK = BW // CHUNK


def _sc_sims_body(emb_hbm, cidx_hbm, tidx_hbm, out_hbm,
                  cidx_v, tidx_v, crows_v, trows_v, sims_v, sem):
    wid = lax.axis_index("s") * NC + lax.axis_index("c")

    pltpu.sync_copy(cidx_hbm.at[wid], cidx_v)
    pltpu.sync_copy(tidx_hbm.at[wid], tidx_v)

    copies = []
    for j in range(NCHUNK):
        copies.append(pltpu.async_copy(
            emb_hbm.at[cidx_v.at[j]], crows_v.at[pl.ds(j * CHUNK, CHUNK)], sem))
        copies.append(pltpu.async_copy(
            emb_hbm.at[tidx_v.at[j]], trows_v.at[pl.ds(j * CHUNK, CHUNK)], sem))
    for c in copies:
        c.wait()

    iota = lax.iota(jnp.int32, L)

    def group(g, _):
        rows = g * L + iota
        acc = jnp.zeros((L,), jnp.float32)
        for d in range(D):
            col = jnp.full((L,), d, jnp.int32)
            cv = plsc.load_gather(crows_v, [rows, col])
            tv = plsc.load_gather(trows_v, [rows, col])
            acc = acc + cv * tv
        sims_v[pl.ds(g * L, L)] = acc
        return _

    lax.fori_loop(0, BW // L, group, 0)

    pltpu.sync_copy(sims_v, out_hbm.at[wid])


@jax.jit
def _sc_sims(emb_weight, cidx, tidx):
    mesh = plsc.VectorSubcoreMesh(core_axis_name="c", subcore_axis_name="s")
    return pl.kernel(
        _sc_sims_body,
        out_type=jax.ShapeDtypeStruct((NW, BW), jnp.float32),
        mesh=mesh,
        compiler_params=pltpu.CompilerParams(
            use_tc_tiling_on_sc=False, needs_layout_passes=False),
        scratch_types=[
            pltpu.VMEM((NCHUNK, CHUNK), jnp.int32),
            pltpu.VMEM((NCHUNK, CHUNK), jnp.int32),
            pltpu.VMEM((BW, D), jnp.float32),
            pltpu.VMEM((BW, D), jnp.float32),
            pltpu.VMEM((BW,), jnp.float32),
            pltpu.SemaphoreType.DMA,
        ],
    )(emb_weight, cidx, tidx)


def _bce_body(sim_ref, label_ref, out_ref):
    s = sim_ref[...]
    lab = label_ref[...]
    loss = jnp.sum(jnp.maximum(s, 0.0) - s * lab
                   + jnp.log(1.0 + jnp.exp(-jnp.abs(s))))
    out_ref[...] = loss[None, None]


@jax.jit
def _bce(sim2d, label2d):
    out = pl.pallas_call(
        _bce_body,
        out_shape=jax.ShapeDtypeStruct((1, 1), jnp.float32),
    )(sim2d, label2d)
    return out[0, 0]


@jax.jit
def kernel(center_idx, target_idx, label, emb_weight, out_emb_weight):
    del out_emb_weight
    cidx = center_idx.reshape(NW, NCHUNK, CHUNK)
    tidx = target_idx.reshape(NW, NCHUNK, CHUNK)
    sims = _sc_sims(emb_weight, cidx, tidx)
    return _bce(sims.reshape(128, 128), label.reshape(128, 128))

# --- scband reference (transcript-rebuilt; emitter-appended) ---
"""Pipeline reference for scband-skip-gram-3324304687678 (READ-ONLY COPY).

The authoritative reference and input builder live on the scoring server;
editing this copy changes nothing except your own understanding.
"""

import jax, jax.numpy as jnp
import numpy as np

VOCAB = 1000000
DIM = 64
B = 16384


def setup_inputs(seed: int = 0) -> dict:
    key = jax.random.key(seed)
    k1, k2, k3, k4, k5 = jax.random.split(key, 5)
    init_range = (1.0 / DIM) ** 0.5
    emb_weight = jax.random.uniform(k1, (VOCAB, DIM), minval=-init_range, maxval=init_range, dtype=jnp.float32)
    out_emb_weight = jax.random.uniform(k2, (VOCAB, DIM), minval=-init_range, maxval=init_range, dtype=jnp.float32)
    center_idx = jax.random.randint(k3, (B,), 0, VOCAB, dtype=jnp.int64 if jax.config.jax_enable_x64 else jnp.int32).astype(jnp.int32)
    target_idx = jax.random.randint(k4, (B,), 0, VOCAB, dtype=jnp.int64 if jax.config.jax_enable_x64 else jnp.int32).astype(jnp.int32)
    label = jax.random.uniform(k5, (B,), dtype=jnp.float32)
    return {
        "center_idx": center_idx,
        "target_idx": target_idx,
        "label": label,
        "emb_weight": emb_weight,
        "out_emb_weight": out_emb_weight,
    }


def reference(center_idx, target_idx, label, emb_weight, out_emb_weight):
    # Note: original torch forward uses self.embedding for BOTH center and target
    # (out_embedding is instantiated but unused in forward) -- replicated faithfully.
    center_embedding = jnp.take(emb_weight, center_idx, axis=0)
    target_embedding = jnp.take(emb_weight, target_idx, axis=0)
    sim = jnp.sum(center_embedding * target_embedding, axis=1)
    # binary_cross_entropy_with_logits, reduction='sum' (numerically stable form)
    loss = jnp.sum(jnp.maximum(sim, 0.0) - sim * label + jnp.log1p(jnp.exp(-jnp.abs(sim))))
    return loss

if __name__ == "__main__":
    import jax
    _d = setup_inputs()
    print(jax.jit(kernel)(*tuple(_d.values())))

</pallas_src>

<mosaic_0001>
#map = affine_map<(d0, d1) -> (0, 0)>
#map1 = affine_map<(d0, d1) -> (0, 0, 0)>
module attributes {stable_mosaic.version = 14 : i64} {
  func.func @_sc_sims_body(%arg0: i32, %arg1: i32, %arg2: memref<1000000x64xf32, #tpu.memory_space<hbm>>, %arg3: memref<32x4x128xi32, #tpu.memory_space<hbm>>, %arg4: memref<32x4x128xi32, #tpu.memory_space<hbm>>, %arg5: memref<32x512xf32, #tpu.memory_space<hbm>>, %arg6: memref<4x128xi32, #tpu.memory_space<vmem>>, %arg7: memref<4x128xi32, #tpu.memory_space<vmem>>, %arg8: memref<512x64xf32, #tpu.memory_space<vmem>>, %arg9: memref<512x64xf32, #tpu.memory_space<vmem>>, %arg10: memref<512xf32, #tpu.memory_space<vmem>>, %arg11: memref<!tpu.dma_semaphore, #tpu.memory_space<semaphore_mem>>) attributes {dimension_semantics = [#tpu.dimension_semantics<core_parallel>, #tpu.dimension_semantics<subcore_parallel>], iteration_bounds = array<i64: 2, 16>, scalar_prefetch = 0 : i64, scratch_operands = 6 : i64, tpu.core_type = #tpu.core_type<sc_vector_subcore>, window_params = [{transform_indices = #map}, {transform_indices = #map1}, {transform_indices = #map1}, {transform_indices = #map}]} {
    %mul3A = arith.constant 2 : i32
    %mul3A_0 = arith.muli %arg1, %mul3A : i32
    %add3A = arith.addi %mul3A_0, %arg0 : i32
    "tpu.region"() ({
      %run_scoped3A = tpu.sem_alloc : memref<!tpu.dma_semaphore, #tpu.memory_space<semaphore_mem>>
      %dma_start3A_164 = arith.constant 0 : i32
      %dma_start3A_165 = arith.constant 0 : i32
      %dma_start3A_166 = tpu.memref_slice %arg3[%add3A, %dma_start3A_164, %dma_start3A_165] : memref<32x4x128xi32, #tpu.memory_space<hbm>> -> memref<1x4x128xi32, #tpu.memory_space<hbm>>
      %dma_start3A_167 = tpu.memref_squeeze %dma_start3A_166 : memref<1x4x128xi32, #tpu.memory_space<hbm>> -> memref<4x128xi32, #tpu.memory_space<hbm>>
      %dma_start3A_168 = arith.constant 0 : i32
      %dma_start3A_169 = arith.constant 0 : i32
      %dma_start3A_170 = tpu.memref_slice %arg3[%add3A, %dma_start3A_168, %dma_start3A_169] : memref<32x4x128xi32, #tpu.memory_space<hbm>> -> memref<1x4x128xi32, #tpu.memory_space<hbm>>
      %dma_start3A_171 = tpu.memref_squeeze %dma_start3A_170 : memref<1x4x128xi32, #tpu.memory_space<hbm>> -> memref<4x128xi32, #tpu.memory_space<hbm>>
      tpu.enqueue_dma source(%dma_start3A_171 : memref<4x128xi32, #tpu.memory_space<hbm>>) target(%arg6 : memref<4x128xi32, #tpu.memory_space<vmem>>) target_semaphore(%run_scoped3A : memref<!tpu.dma_semaphore, #tpu.memory_space<semaphore_mem>>)
      %dma_wait3A_172 = arith.constant 0 : i32
      %dma_wait3A_173 = arith.constant 0 : i32
      %dma_wait3A_174 = tpu.memref_slice %arg3[%add3A, %dma_wait3A_172, %dma_wait3A_173] : memref<32x4x128xi32, #tpu.memory_space<hbm>> -> memref<1x4x128xi32, #tpu.memory_space<hbm>>
      %dma_wait3A_175 = tpu.memref_squeeze %dma_wait3A_174 : memref<1x4x128xi32, #tpu.memory_space<hbm>> -> memref<4x128xi32, #tpu.memory_space<hbm>>
      %dma_wait3A_176 = arith.constant 0 : i32
      %dma_wait3A_177 = arith.constant 0 : i32
      %dma_wait3A_178 = tpu.memref_slice %arg3[%add3A, %dma_wait3A_176, %dma_wait3A_177] : memref<32x4x128xi32, #tpu.memory_space<hbm>> -> memref<1x4x128xi32, #tpu.memory_space<hbm>>
      %dma_wait3A_179 = tpu.memref_squeeze %dma_wait3A_178 : memref<1x4x128xi32, #tpu.memory_space<hbm>> -> memref<4x128xi32, #tpu.memory_space<hbm>>
      tpu.wait_dma2 semaphore(%run_scoped3A : memref<!tpu.dma_semaphore, #tpu.memory_space<semaphore_mem>>) src(%dma_wait3A_179 : memref<4x128xi32, #tpu.memory_space<hbm>>) dst(%arg6 : memref<4x128xi32, #tpu.memory_space<vmem>>)
      tpu.yield
    }) : () -> ()
    "tpu.region"() ({
      %run_scoped3A = tpu.sem_alloc : memref<!tpu.dma_semaphore, #tpu.memory_space<semaphore_mem>>
      %dma_start3A_164 = arith.constant 0 : i32
      %dma_start3A_165 = arith.constant 0 : i32
      %dma_start3A_166 = tpu.memref_slice %arg4[%add3A, %dma_start3A_164, %dma_start3A_165] : memref<32x4x128xi32, #tpu.memory_space<hbm>> -> memref<1x4x128xi32, #tpu.memory_space<hbm>>
      %dma_start3A_167 = tpu.memref_squeeze %dma_start3A_166 : memref<1x4x128xi32, #tpu.memory_space<hbm>> -> memref<4x128xi32, #tpu.memory_space<hbm>>
      %dma_start3A_168 = arith.constant 0 : i32
      %dma_start3A_169 = arith.constant 0 : i32
      %dma_start3A_170 = tpu.memref_slice %arg4[%add3A, %dma_start3A_168, %dma_start3A_169] : memref<32x4x128xi32, #tpu.memory_space<hbm>> -> memref<1x4x128xi32, #tpu.memory_space<hbm>>
      %dma_start3A_171 = tpu.memref_squeeze %dma_start3A_170 : memref<1x4x128xi32, #tpu.memory_space<hbm>> -> memref<4x128xi32, #tpu.memory_space<hbm>>
      tpu.enqueue_dma source(%dma_start3A_171 : memref<4x128xi32, #tpu.memory_space<hbm>>) target(%arg7 : memref<4x128xi32, #tpu.memory_space<vmem>>) target_semaphore(%run_scoped3A : memref<!tpu.dma_semaphore, #tpu.memory_space<semaphore_mem>>)
      %dma_wait3A_172 = arith.constant 0 : i32
      %dma_wait3A_173 = arith.constant 0 : i32
      %dma_wait3A_174 = tpu.memref_slice %arg4[%add3A, %dma_wait3A_172, %dma_wait3A_173] : memref<32x4x128xi32, #tpu.memory_space<hbm>> -> memref<1x4x128xi32, #tpu.memory_space<hbm>>
      %dma_wait3A_175 = tpu.memref_squeeze %dma_wait3A_174 : memref<1x4x128xi32, #tpu.memory_space<hbm>> -> memref<4x128xi32, #tpu.memory_space<hbm>>
      %dma_wait3A_176 = arith.constant 0 : i32
      %dma_wait3A_177 = arith.constant 0 : i32
      %dma_wait3A_178 = tpu.memref_slice %arg4[%add3A, %dma_wait3A_176, %dma_wait3A_177] : memref<32x4x128xi32, #tpu.memory_space<hbm>> -> memref<1x4x128xi32, #tpu.memory_space<hbm>>
      %dma_wait3A_179 = tpu.memref_squeeze %dma_wait3A_178 : memref<1x4x128xi32, #tpu.memory_space<hbm>> -> memref<4x128xi32, #tpu.memory_space<hbm>>
      tpu.wait_dma2 semaphore(%run_scoped3A : memref<!tpu.dma_semaphore, #tpu.memory_space<semaphore_mem>>) src(%dma_wait3A_179 : memref<4x128xi32, #tpu.memory_space<hbm>>) dst(%arg7 : memref<4x128xi32, #tpu.memory_space<vmem>>)
      tpu.yield
    }) : () -> ()
    %dma_start3A = arith.constant 0 : i32
    %dma_start3A_1 = arith.constant 0 : i32
    %dma_start3A_2 = arith.constant 0 : i32
    %dma_start3A_3 = tpu.memref_slice %arg8[%dma_start3A_1, %dma_start3A_2] : memref<512x64xf32, #tpu.memory_space<vmem>> -> memref<128x64xf32, #tpu.memory_space<vmem>>
    %dma_start3A_4 = arith.constant 0 : i32
    %dma_start3A_5 = tpu.memref_slice %arg6[%dma_start3A, %dma_start3A_4] : memref<4x128xi32, #tpu.memory_space<vmem>> -> memref<1x128xi32, #tpu.memory_space<vmem>>
    %dma_start3A_6 = tpu.memref_squeeze %dma_start3A_5 : memref<1x128xi32, #tpu.memory_space<vmem>> -> memref<128xi32, #tpu.memory_space<vmem>>
    %dma_start3A_7 = arith.constant 0 : i32
    %dma_start3A_8 = arith.constant 0 : i32
    %dma_start3A_9 = tpu.memref_slice %arg2[%dma_start3A_7, %dma_start3A_8] : memref<1000000x64xf32, #tpu.memory_space<hbm>> -> memref<1000000x64xf32, #tpu.memory_space<hbm>>
    tpu.enqueue_indirect_dma source(%dma_start3A_9 : memref<1000000x64xf32, #tpu.memory_space<hbm>>) target(%dma_start3A_3 : memref<128x64xf32, #tpu.memory_space<vmem>>) offsets(%dma_start3A_6 : memref<128xi32, #tpu.memory_space<vmem>>) semaphore(%arg11 : memref<!tpu.dma_semaphore, #tpu.memory_space<semaphore_mem>>)
    %dma_start3A_10 = arith.constant 0 : i32
    %dma_start3A_11 = arith.constant 0 : i32
    %dma_start3A_12 = arith.constant 0 : i32
    %dma_start3A_13 = tpu.memref_slice %arg9[%dma_start3A_11, %dma_start3A_12] : memref<512x64xf32, #tpu.memory_space<vmem>> -> memref<128x64xf32, #tpu.memory_space<vmem>>
    %dma_start3A_14 = arith.constant 0 : i32
    %dma_start3A_15 = tpu.memref_slice %arg7[%dma_start3A_10, %dma_start3A_14] : memref<4x128xi32, #tpu.memory_space<vmem>> -> memref<1x128xi32, #tpu.memory_space<vmem>>
    %dma_start3A_16 = tpu.memref_squeeze %dma_start3A_15 : memref<1x128xi32, #tpu.memory_space<vmem>> -> memref<128xi32, #tpu.memory_space<vmem>>
    %dma_start3A_17 = arith.constant 0 : i32
    %dma_start3A_18 = arith.constant 0 : i32
    %dma_start3A_19 = tpu.memref_slice %arg2[%dma_start3A_17, %dma_start3A_18] : memref<1000000x64xf32, #tpu.memory_space<hbm>> -> memref<1000000x64xf32, #tpu.memory_space<hbm>>
    tpu.enqueue_indirect_dma source(%dma_start3A_19 : memref<1000000x64xf32, #tpu.memory_space<hbm>>) target(%dma_start3A_13 : memref<128x64xf32, #tpu.memory_space<vmem>>) offsets(%dma_start3A_16 : memref<128xi32, #tpu.memory_space<vmem>>) semaphore(%arg11 : memref<!tpu.dma_semaphore, #tpu.memory_space<semaphore_mem>>)
    %dma_start3A_20 = arith.constant 1 : i32
    %dma_start3A_21 = arith.constant 128 : i32
    %dma_start3A_22 = arith.constant 0 : i32
    %dma_start3A_23 = tpu.memref_slice %arg8[%dma_start3A_21, %dma_start3A_22] : memref<512x64xf32, #tpu.memory_space<vmem>> -> memref<128x64xf32, #tpu.memory_space<vmem>>
    %dma_start3A_24 = arith.constant 0 : i32
    %dma_start3A_25 = tpu.memref_slice %arg6[%dma_start3A_20, %dma_start3A_24] : memref<4x128xi32, #tpu.memory_space<vmem>> -> memref<1x128xi32, #tpu.memory_space<vmem>>
    %dma_start3A_26 = tpu.memref_squeeze %dma_start3A_25 : memref<1x128xi32, #tpu.memory_space<vmem>> -> memref<128xi32, #tpu.memory_space<vmem>>
    %dma_start3A_27 = arith.constant 0 : i32
    %dma_start3A_28 = arith.constant 0 : i32
    %dma_start3A_29 = tpu.memref_slice %arg2[%dma_start3A_27, %dma_start3A_28] : memref<1000000x64xf32, #tpu.memory_space<hbm>> -> memref<1000000x64xf32, #tpu.memory_space<hbm>>
    tpu.enqueue_indirect_dma source(%dma_start3A_29 : memref<1000000x64xf32, #tpu.memory_space<hbm>>) target(%dma_start3A_23 : memref<128x64xf32, #tpu.memory_space<vmem>>) offsets(%dma_start3A_26 : memref<128xi32, #tpu.memory_space<vmem>>) semaphore(%arg11 : memref<!tpu.dma_semaphore, #tpu.memory_space<semaphore_mem>>)
    %dma_start3A_30 = arith.constant 1 : i32
    %dma_start3A_31 = arith.constant 128 : i32
    %dma_start3A_32 = arith.constant 0 : i32
    %dma_start3A_33 = tpu.memref_slice %arg9[%dma_start3A_31, %dma_start3A_32] : memref<512x64xf32, #tpu.memory_space<vmem>> -> memref<128x64xf32, #tpu.memory_space<vmem>>
    %dma_start3A_34 = arith.constant 0 : i32
    %dma_start3A_35 = tpu.memref_slice %arg7[%dma_start3A_30, %dma_start3A_34] : memref<4x128xi32, #tpu.memory_space<vmem>> -> memref<1x128xi32, #tpu.memory_space<vmem>>
    %dma_start3A_36 = tpu.memref_squeeze %dma_start3A_35 : memref<1x128xi32, #tpu.memory_space<vmem>> -> memref<128xi32, #tpu.memory_space<vmem>>
    %dma_start3A_37 = arith.constant 0 : i32
    %dma_start3A_38 = arith.constant 0 : i32
    %dma_start3A_39 = tpu.memref_slice %arg2[%dma_start3A_37, %dma_start3A_38] : memref<1000000x64xf32, #tpu.memory_space<hbm>> -> memref<1000000x64xf32, #tpu.memory_space<hbm>>
    tpu.enqueue_indirect_dma source(%dma_start3A_39 : memref<1000000x64xf32, #tpu.memory_space<hbm>>) target(%dma_start3A_33 : memref<128x64xf32, #tpu.memory_space<vmem>>) offsets(%dma_start3A_36 : memref<128xi32, #tpu.memory_space<vmem>>) semaphore(%arg11 : memref<!tpu.dma_semaphore, #tpu.memory_space<semaphore_mem>>)
    %dma_start3A_40 = arith.constant 2 : i32
    %dma_start3A_41 = arith.constant 256 : i32
    %dma_start3A_42 = arith.constant 0 : i32
    %dma_start3A_43 = tpu.memref_slice %arg8[%dma_start3A_41, %dma_start3A_42] : memref<512x64xf32, #tpu.memory_space<vmem>> -> memref<128x64xf32, #tpu.memory_space<vmem>>
    %dma_start3A_44 = arith.constant 0 : i32
    %dma_start3A_45 = tpu.memref_slice %arg6[%dma_start3A_40, %dma_start3A_44] : memref<4x128xi32, #tpu.memory_space<vmem>> -> memref<1x128xi32, #tpu.memory_space<vmem>>
    %dma_start3A_46 = tpu.memref_squeeze %dma_start3A_45 : memref<1x128xi32, #tpu.memory_space<vmem>> -> memref<128xi32, #tpu.memory_space<vmem>>
    %dma_start3A_47 = arith.constant 0 : i32
    %dma_start3A_48 = arith.constant 0 : i32
    %dma_start3A_49 = tpu.memref_slice %arg2[%dma_start3A_47, %dma_start3A_48] : memref<1000000x64xf32, #tpu.memory_space<hbm>> -> memref<1000000x64xf32, #tpu.memory_space<hbm>>
    tpu.enqueue_indirect_dma source(%dma_start3A_49 : memref<1000000x64xf32, #tpu.memory_space<hbm>>) target(%dma_start3A_43 : memref<128x64xf32, #tpu.memory_space<vmem>>) offsets(%dma_start3A_46 : memref<128xi32, #tpu.memory_space<vmem>>) semaphore(%arg11 : memref<!tpu.dma_semaphore, #tpu.memory_space<semaphore_mem>>)
    %dma_start3A_50 = arith.constant 2 : i32
    %dma_start3A_51 = arith.constant 256 : i32
    %dma_start3A_52 = arith.constant 0 : i32
    %dma_start3A_53 = tpu.memref_slice %arg9[%dma_start3A_51, %dma_start3A_52] : memref<512x64xf32, #tpu.memory_space<vmem>> -> memref<128x64xf32, #tpu.memory_space<vmem>>
    %dma_start3A_54 = arith.constant 0 : i32
    %dma_start3A_55 = tpu.memref_slice %arg7[%dma_start3A_50, %dma_start3A_54] : memref<4x128xi32, #tpu.memory_space<vmem>> -> memref<1x128xi32, #tpu.memory_space<vmem>>
    %dma_start3A_56 = tpu.memref_squeeze %dma_start3A_55 : memref<1x128xi32, #tpu.memory_space<vmem>> -> memref<128xi32, #tpu.memory_space<vmem>>
    %dma_start3A_57 = arith.constant 0 : i32
    %dma_start3A_58 = arith.constant 0 : i32
    %dma_start3A_59 = tpu.memref_slice %arg2[%dma_start3A_57, %dma_start3A_58] : memref<1000000x64xf32, #tpu.memory_space<hbm>> -> memref<1000000x64xf32, #tpu.memory_space<hbm>>
    tpu.enqueue_indirect_dma source(%dma_start3A_59 : memref<1000000x64xf32, #tpu.memory_space<hbm>>) target(%dma_start3A_53 : memref<128x64xf32, #tpu.memory_space<vmem>>) offsets(%dma_start3A_56 : memref<128xi32, #tpu.memory_space<vmem>>) semaphore(%arg11 : memref<!tpu.dma_semaphore, #tpu.memory_space<semaphore_mem>>)
    %dma_start3A_60 = arith.constant 3 : i32
    %dma_start3A_61 = arith.constant 384 : i32
    %dma_start3A_62 = arith.constant 0 : i32
    %dma_start3A_63 = tpu.memref_slice %arg8[%dma_start3A_61, %dma_start3A_62] : memref<512x64xf32, #tpu.memory_space<vmem>> -> memref<128x64xf32, #tpu.memory_space<vmem>>
    %dma_start3A_64 = arith.constant 0 : i32
    %dma_start3A_65 = tpu.memref_slice %arg6[%dma_start3A_60, %dma_start3A_64] : memref<4x128xi32, #tpu.memory_space<vmem>> -> memref<1x128xi32, #tpu.memory_space<vmem>>
    %dma_start3A_66 = tpu.memref_squeeze %dma_start3A_65 : memref<1x128xi32, #tpu.memory_space<vmem>> -> memref<128xi32, #tpu.memory_space<vmem>>
    %dma_start3A_67 = arith.constant 0 : i32
    %dma_start3A_68 = arith.constant 0 : i32
    %dma_start3A_69 = tpu.memref_slice %arg2[%dma_start3A_67, %dma_start3A_68] : memref<1000000x64xf32, #tpu.memory_space<hbm>> -> memref<1000000x64xf32, #tpu.memory_space<hbm>>
    tpu.enqueue_indirect_dma source(%dma_start3A_69 : memref<1000000x64xf32, #tpu.memory_space<hbm>>) target(%dma_start3A_63 : memref<128x64xf32, #tpu.memory_space<vmem>>) offsets(%dma_start3A_66 : memref<128xi32, #tpu.memory_space<vmem>>) semaphore(%arg11 : memref<!tpu.dma_semaphore, #tpu.memory_space<semaphore_mem>>)
    %dma_start3A_70 = arith.constant 3 : i32
    %dma_start3A_71 = arith.constant 384 : i32
    %dma_start3A_72 = arith.constant 0 : i32
    %dma_start3A_73 = tpu.memref_slice %arg9[%dma_start3A_71, %dma_start3A_72] : memref<512x64xf32, #tpu.memory_space<vmem>> -> memref<128x64xf32, #tpu.memory_space<vmem>>
    %dma_start3A_74 = arith.constant 0 : i32
    %dma_start3A_75 = tpu.memref_slice %arg7[%dma_start3A_70, %dma_start3A_74] : memref<4x128xi32, #tpu.memory_space<vmem>> -> memref<1x128xi32, #tpu.memory_space<vmem>>
    %dma_start3A_76 = tpu.memref_squeeze %dma_start3A_75 : memref<1x128xi32, #tpu.memory_space<vmem>> -> memref<128xi32, #tpu.memory_space<vmem>>
    %dma_start3A_77 = arith.constant 0 : i32
    %dma_start3A_78 = arith.constant 0 : i32
    %dma_start3A_79 = tpu.memref_slice %arg2[%dma_start3A_77, %dma_start3A_78] : memref<1000000x64xf32, #tpu.memory_space<hbm>> -> memref<1000000x64xf32, #tpu.memory_space<hbm>>
    tpu.enqueue_indirect_dma source(%dma_start3A_79 : memref<1000000x64xf32, #tpu.memory_space<hbm>>) target(%dma_start3A_73 : memref<128x64xf32, #tpu.memory_space<vmem>>) offsets(%dma_start3A_76 : memref<128xi32, #tpu.memory_space<vmem>>) semaphore(%arg11 : memref<!tpu.dma_semaphore, #tpu.memory_space<semaphore_mem>>)
    %dma_wait3A = arith.constant 0 : i32
    %dma_wait3A_80 = arith.constant 0 : i32
    %dma_wait3A_81 = arith.constant 0 : i32
    %dma_wait3A_82 = tpu.memref_slice %arg8[%dma_wait3A_80, %dma_wait3A_81] : memref<512x64xf32, #tpu.memory_space<vmem>> -> memref<128x64xf32, #tpu.memory_space<vmem>>
    %dma_wait3A_83 = arith.constant 0 : i32
    %dma_wait3A_84 = tpu.memref_slice %arg6[%dma_wait3A, %dma_wait3A_83] : memref<4x128xi32, #tpu.memory_space<vmem>> -> memref<1x128xi32, #tpu.memory_space<vmem>>
    %dma_wait3A_85 = tpu.memref_squeeze %dma_wait3A_84 : memref<1x128xi32, #tpu.memory_space<vmem>> -> memref<128xi32, #tpu.memory_space<vmem>>
    %dma_wait3A_86 = arith.constant 0 : i32
    %dma_wait3A_87 = arith.constant 0 : i32
    %dma_wait3A_88 = tpu.memref_slice %arg2[%dma_wait3A_86, %dma_wait3A_87] : memref<1000000x64xf32, #tpu.memory_space<hbm>> -> memref<1000000x64xf32, #tpu.memory_space<hbm>>
    tpu.wait_indirect_dma semaphore(%arg11 : memref<!tpu.dma_semaphore, #tpu.memory_space<semaphore_mem>>) src(%dma_wait3A_88 : memref<1000000x64xf32, #tpu.memory_space<hbm>>) dst(%dma_wait3A_82 : memref<128x64xf32, #tpu.memory_space<vmem>>)
    %dma_wait3A_89 = arith.constant 0 : i32
    %dma_wait3A_90 = arith.constant 0 : i32
    %dma_wait3A_91 = arith.constant 0 : i32
    %dma_wait3A_92 = tpu.memref_slice %arg9[%dma_wait3A_90, %dma_wait3A_91] : memref<512x64xf32, #tpu.memory_space<vmem>> -> memref<128x64xf32, #tpu.memory_space<vmem>>
    %dma_wait3A_93 = arith.constant 0 : i32
    %dma_wait3A_94 = tpu.memref_slice %arg7[%dma_wait3A_89, %dma_wait3A_93] : memref<4x128xi32, #tpu.memory_space<vmem>> -> memref<1x128xi32, #tpu.memory_space<vmem>>
    %dma_wait3A_95 = tpu.memref_squeeze %dma_wait3A_94 : memref<1x128xi32, #tpu.memory_space<vmem>> -> memref<128xi32, #tpu.memory_space<vmem>>
    %dma_wait3A_96 = arith.constant 0 : i32
    %dma_wait3A_97 = arith.constant 0 : i32
    %dma_wait3A_98 = tpu.memref_slice %arg2[%dma_wait3A_96, %dma_wait3A_97] : memref<1000000x64xf32, #tpu.memory_space<hbm>> -> memref<1000000x64xf32, #tpu.memory_space<hbm>>
    tpu.wait_indirect_dma semaphore(%arg11 : memref<!tpu.dma_semaphore, #tpu.memory_space<semaphore_mem>>) src(%dma_wait3A_98 : memref<1000000x64xf32, #tpu.memory_space<hbm>>) dst(%dma_wait3A_92 : memref<128x64xf32, #tpu.memory_space<vmem>>)
    %dma_wait3A_99 = arith.constant 1 : i32
    %dma_wait3A_100 = arith.constant 128 : i32
    %dma_wait3A_101 = arith.constant 0 : i32
    %dma_wait3A_102 = tpu.memref_slice %arg8[%dma_wait3A_100, %dma_wait3A_101] : memref<512x64xf32, #tpu.memory_space<vmem>> -> memref<128x64xf32, #tpu.memory_space<vmem>>
    %dma_wait3A_103 = arith.constant 0 : i32
    %dma_wait3A_104 = tpu.memref_slice %arg6[%dma_wait3A_99, %dma_wait3A_103] : memref<4x128xi32, #tpu.memory_space<vmem>> -> memref<1x128xi32, #tpu.memory_space<vmem>>
    %dma_wait3A_105 = tpu.memref_squeeze %dma_wait3A_104 : memref<1x128xi32, #tpu.memory_space<vmem>> -> memref<128xi32, #tpu.memory_space<vmem>>
    %dma_wait3A_106 = arith.constant 0 : i32
    %dma_wait3A_107 = arith.constant 0 : i32
    %dma_wait3A_108 = tpu.memref_slice %arg2[%dma_wait3A_106, %dma_wait3A_107] : memref<1000000x64xf32, #tpu.memory_space<hbm>> -> memref<1000000x64xf32, #tpu.memory_space<hbm>>
    tpu.wait_indirect_dma semaphore(%arg11 : memref<!tpu.dma_semaphore, #tpu.memory_space<semaphore_mem>>) src(%dma_wait3A_108 : memref<1000000x64xf32, #tpu.memory_space<hbm>>) dst(%dma_wait3A_102 : memref<128x64xf32, #tpu.memory_space<vmem>>)
    %dma_wait3A_109 = arith.constant 1 : i32
    %dma_wait3A_110 = arith.constant 128 : i32
    %dma_wait3A_111 = arith.constant 0 : i32
    %dma_wait3A_112 = tpu.memref_slice %arg9[%dma_wait3A_110, %dma_wait3A_111] : memref<512x64xf32, #tpu.memory_space<vmem>> -> memref<128x64xf32, #tpu.memory_space<vmem>>
    %dma_wait3A_113 = arith.constant 0 : i32
    %dma_wait3A_114 = tpu.memref_slice %arg7[%dma_wait3A_109, %dma_wait3A_113] : memref<4x128xi32, #tpu.memory_space<vmem>> -> memref<1x128xi32, #tpu.memory_space<vmem>>
    %dma_wait3A_115 = tpu.memref_squeeze %dma_wait3A_114 : memref<1x128xi32, #tpu.memory_space<vmem>> -> memref<128xi32, #tpu.memory_space<vmem>>
    %dma_wait3A_116 = arith.constant 0 : i32
    %dma_wait3A_117 = arith.constant 0 : i32
    %dma_wait3A_118 = tpu.memref_slice %arg2[%dma_wait3A_116, %dma_wait3A_117] : memref<1000000x64xf32, #tpu.memory_space<hbm>> -> memref<1000000x64xf32, #tpu.memory_space<hbm>>
    tpu.wait_indirect_dma semaphore(%arg11 : memref<!tpu.dma_semaphore, #tpu.memory_space<semaphore_mem>>) src(%dma_wait3A_118 : memref<1000000x64xf32, #tpu.memory_space<hbm>>) dst(%dma_wait3A_112 : memref<128x64xf32, #tpu.memory_space<vmem>>)
    %dma_wait3A_119 = arith.constant 2 : i32
    %dma_wait3A_120 = arith.constant 256 : i32
    %dma_wait3A_121 = arith.constant 0 : i32
    %dma_wait3A_122 = tpu.memref_slice %arg8[%dma_wait3A_120, %dma_wait3A_121] : memref<512x64xf32, #tpu.memory_space<vmem>> -> memref<128x64xf32, #tpu.memory_space<vmem>>
    %dma_wait3A_123 = arith.constant 0 : i32
    %dma_wait3A_124 = tpu.memref_slice %arg6[%dma_wait3A_119, %dma_wait3A_123] : memref<4x128xi32, #tpu.memory_space<vmem>> -> memref<1x128xi32, #tpu.memory_space<vmem>>
    %dma_wait3A_125 = tpu.memref_squeeze %dma_wait3A_124 : memref<1x128xi32, #tpu.memory_space<vmem>> -> memref<128xi32, #tpu.memory_space<vmem>>
    %dma_wait3A_126 = arith.constant 0 : i32
    %dma_wait3A_127 = arith.constant 0 : i32
    %dma_wait3A_128 = tpu.memref_slice %arg2[%dma_wait3A_126, %dma_wait3A_127] : memref<1000000x64xf32, #tpu.memory_space<hbm>> -> memref<1000000x64xf32, #tpu.memory_space<hbm>>
    tpu.wait_indirect_dma semaphore(%arg11 : memref<!tpu.dma_semaphore, #tpu.memory_space<semaphore_mem>>) src(%dma_wait3A_128 : memref<1000000x64xf32, #tpu.memory_space<hbm>>) dst(%dma_wait3A_122 : memref<128x64xf32, #tpu.memory_space<vmem>>)
    %dma_wait3A_129 = arith.constant 2 : i32
    %dma_wait3A_130 = arith.constant 256 : i32
    %dma_wait3A_131 = arith.constant 0 : i32
    %dma_wait3A_132 = tpu.memref_slice %arg9[%dma_wait3A_130, %dma_wait3A_131] : memref<512x64xf32, #tpu.memory_space<vmem>> -> memref<128x64xf32, #tpu.memory_space<vmem>>
    %dma_wait3A_133 = arith.constant 0 : i32
    %dma_wait3A_134 = tpu.memref_slice %arg7[%dma_wait3A_129, %dma_wait3A_133] : memref<4x128xi32, #tpu.memory_space<vmem>> -> memref<1x128xi32, #tpu.memory_space<vmem>>
    %dma_wait3A_135 = tpu.memref_squeeze %dma_wait3A_134 : memref<1x128xi32, #tpu.memory_space<vmem>> -> memref<128xi32, #tpu.memory_space<vmem>>
    %dma_wait3A_136 = arith.constant 0 : i32
    %dma_wait3A_137 = arith.constant 0 : i32
    %dma_wait3A_138 = tpu.memref_slice %arg2[%dma_wait3A_136, %dma_wait3A_137] : memref<1000000x64xf32, #tpu.memory_space<hbm>> -> memref<1000000x64xf32, #tpu.memory_space<hbm>>
    tpu.wait_indirect_dma semaphore(%arg11 : memref<!tpu.dma_semaphore, #tpu.memory_space<semaphore_mem>>) src(%dma_wait3A_138 : memref<1000000x64xf32, #tpu.memory_space<hbm>>) dst(%dma_wait3A_132 : memref<128x64xf32, #tpu.memory_space<vmem>>)
    %dma_wait3A_139 = arith.constant 3 : i32
    %dma_wait3A_140 = arith.constant 384 : i32
    %dma_wait3A_141 = arith.constant 0 : i32
    %dma_wait3A_142 = tpu.memref_slice %arg8[%dma_wait3A_140, %dma_wait3A_141] : memref<512x64xf32, #tpu.memory_space<vmem>> -> memref<128x64xf32, #tpu.memory_space<vmem>>
    %dma_wait3A_143 = arith.constant 0 : i32
    %dma_wait3A_144 = tpu.memref_slice %arg6[%dma_wait3A_139, %dma_wait3A_143] : memref<4x128xi32, #tpu.memory_space<vmem>> -> memref<1x128xi32, #tpu.memory_space<vmem>>
    %dma_wait3A_145 = tpu.memref_squeeze %dma_wait3A_144 : memref<1x128xi32, #tpu.memory_space<vmem>> -> memref<128xi32, #tpu.memory_space<vmem>>
    %dma_wait3A_146 = arith.constant 0 : i32
    %dma_wait3A_147 = arith.constant 0 : i32
    %dma_wait3A_148 = tpu.memref_slice %arg2[%dma_wait3A_146, %dma_wait3A_147] : memref<1000000x64xf32, #tpu.memory_space<hbm>> -> memref<1000000x64xf32, #tpu.memory_space<hbm>>
    tpu.wait_indirect_dma semaphore(%arg11 : memref<!tpu.dma_semaphore, #tpu.memory_space<semaphore_mem>>) src(%dma_wait3A_148 : memref<1000000x64xf32, #tpu.memory_space<hbm>>) dst(%dma_wait3A_142 : memref<128x64xf32, #tpu.memory_space<vmem>>)
    %dma_wait3A_149 = arith.constant 3 : i32
    %dma_wait3A_150 = arith.constant 384 : i32
    %dma_wait3A_151 = arith.constant 0 : i32
    %dma_wait3A_152 = tpu.memref_slice %arg9[%dma_wait3A_150, %dma_wait3A_151] : memref<512x64xf32, #tpu.memory_space<vmem>> -> memref<128x64xf32, #tpu.memory_space<vmem>>
    %dma_wait3A_153 = arith.constant 0 : i32
    %dma_wait3A_154 = tpu.memref_slice %arg7[%dma_wait3A_149, %dma_wait3A_153] : memref<4x128xi32, #tpu.memory_space<vmem>> -> memref<1x128xi32, #tpu.memory_space<vmem>>
    %dma_wait3A_155 = tpu.memref_squeeze %dma_wait3A_154 : memref<1x128xi32, #tpu.memory_space<vmem>> -> memref<128xi32, #tpu.memory_space<vmem>>
    %dma_wait3A_156 = arith.constant 0 : i32
    %dma_wait3A_157 = arith.constant 0 : i32
    %dma_wait3A_158 = tpu.memref_slice %arg2[%dma_wait3A_156, %dma_wait3A_157] : memref<1000000x64xf32, #tpu.memory_space<hbm>> -> memref<1000000x64xf32, #tpu.memory_space<hbm>>
    tpu.wait_indirect_dma semaphore(%arg11 : memref<!tpu.dma_semaphore, #tpu.memory_space<semaphore_mem>>) src(%dma_wait3A_158 : memref<1000000x64xf32, #tpu.memory_space<hbm>>) dst(%dma_wait3A_152 : memref<128x64xf32, #tpu.memory_space<vmem>>)
    %iota3A = tpu.iota {dimensions = array<i32: 0>} : vector<16xi32>
    %scan3A = arith.constant 0 : i32
    %scan3A_159 = arith.constant 0 : i32
    %scan3A_160 = arith.constant 32 : i32
    %scan3A_161 = arith.addi %scan3A_159, %scan3A_160 : i32
    %scan3A_162 = arith.constant 1 : i32
    scf.for %scan3A_164 = %scan3A_159 to %scan3A_161 step %scan3A_162  : i32 {
      %mul3A_165 = arith.constant 16 : i32
      %mul3A_166 = arith.muli %scan3A_164, %mul3A_165 : i32
      %add3A_167 = vector.broadcast %mul3A_166 : i32 to vector<16xi32>
      %add3A_168 = arith.addi %add3A_167, %iota3A : vector<16xi32>
      %broadcast_in_dim3A = arith.constant 0.000000e+00 : f32
      %broadcast_in_dim3A_169 = vector.broadcast %broadcast_in_dim3A : f32 to vector<16xf32>
      %broadcast_in_dim3A_170 = arith.constant 0 : i32
      %broadcast_in_dim3A_171 = vector.broadcast %broadcast_in_dim3A_170 : i32 to vector<16xi32>
      %gather3A = tpu.vector_load_idx %arg8[%add3A_168, %broadcast_in_dim3A_171] : memref<512x64xf32, #tpu.memory_space<vmem>>[vector<16xi32>, vector<16xi32>], vector<16xf32>,
      %gather3A_172 = tpu.vector_load_idx %arg9[%add3A_168, %broadcast_in_dim3A_171] : memref<512x64xf32, #tpu.memory_space<vmem>>[vector<16xi32>, vector<16xi32>], vector<16xf32>,
      %mul3A_173 = arith.mulf %gather3A, %gather3A_172 : vector<16xf32>
      %add3A_174 = arith.addf %broadcast_in_dim3A_169, %mul3A_173 : vector<16xf32>
      %broadcast_in_dim3A_175 = arith.constant 1 : i32
      %broadcast_in_dim3A_176 = vector.broadcast %broadcast_in_dim3A_175 : i32 to vector<16xi32>
      %gather3A_177 = tpu.vector_load_idx %arg8[%add3A_168, %broadcast_in_dim3A_176] : memref<512x64xf32, #tpu.memory_space<vmem>>[vector<16xi32>, vector<16xi32>], vector<16xf32>,
      %gather3A_178 = tpu.vector_load_idx %arg9[%add3A_168, %broadcast_in_dim3A_176] : memref<512x64xf32, #tpu.memory_space<vmem>>[vector<16xi32>, vector<16xi32>], vector<16xf32>,
      %mul3A_179 = arith.mulf %gather3A_177, %gather3A_178 : vector<16xf32>
      %add3A_180 = arith.addf %add3A_174, %mul3A_179 : vector<16xf32>
      %broadcast_in_dim3A_181 = arith.constant 2 : i32
      %broadcast_in_dim3A_182 = vector.broadcast %broadcast_in_dim3A_181 : i32 to vector<16xi32>
      %gather3A_183 = tpu.vector_load_idx %arg8[%add3A_168, %broadcast_in_dim3A_182] : memref<512x64xf32, #tpu.memory_space<vmem>>[vector<16xi32>, vector<16xi32>], vector<16xf32>,
      %gather3A_184 = tpu.vector_load_idx %arg9[%add3A_168, %broadcast_in_dim3A_182] : memref<512x64xf32, #tpu.memory_space<vmem>>[vector<16xi32>, vector<16xi32>], vector<16xf32>,
      %mul3A_185 = arith.mulf %gather3A_183, %gather3A_184 : vector<16xf32>
      %add3A_186 = arith.addf %add3A_180, %mul3A_185 : vector<16xf32>
      %broadcast_in_dim3A_187 = arith.constant 3 : i32
      %broadcast_in_dim3A_188 = vector.broadcast %broadcast_in_dim3A_187 : i32 to vector<16xi32>
      %gather3A_189 = tpu.vector_load_idx %arg8[%add3A_168, %broadcast_in_dim3A_188] : memref<512x64xf32, #tpu.memory_space<vmem>>[vector<16xi32>, vector<16xi32>], vector<16xf32>,
      %gather3A_190 = tpu.vector_load_idx %arg9[%add3A_168, %broadcast_in_dim3A_188] : memref<512x64xf32, #tpu.memory_space<vmem>>[vector<16xi32>, vector<16xi32>], vector<16xf32>,
      %mul3A_191 = arith.mulf %gather3A_189, %gather3A_190 : vector<16xf32>
      %add3A_192 = arith.addf %add3A_186, %mul3A_191 : vector<16xf32>
      %broadcast_in_dim3A_193 = arith.constant 4 : i32
      %broadcast_in_dim3A_194 = vector.broadcast %broadcast_in_dim3A_193 : i32 to vector<16xi32>
      %gather3A_195 = tpu.vector_load_idx %arg8[%add3A_168, %broadcast_in_dim3A_194] : memref<512x64xf32, #tpu.memory_space<vmem>>[vector<16xi32>, vector<16xi32>], vector<16xf32>,
      %gather3A_196 = tpu.vector_load_idx %arg9[%add3A_168, %broadcast_in_dim3A_194] : memref<512x64xf32, #tpu.memory_space<vmem>>[vector<16xi32>, vector<16xi32>], vector<16xf32>,
      %mul3A_197 = arith.mulf %gather3A_195, %gather3A_196 : vector<16xf32>
      %add3A_198 = arith.addf %add3A_192, %mul3A_197 : vector<16xf32>
      %broadcast_in_dim3A_199 = arith.constant 5 : i32
      %broadcast_in_dim3A_200 = vector.broadcast %broadcast_in_dim3A_199 : i32 to vector<16xi32>
      %gather3A_201 = tpu.vector_load_idx %arg8[%add3A_168, %broadcast_in_dim3A_200] : memref<512x64xf32, #tpu.memory_space<vmem>>[vector<16xi32>, vector<16xi32>], vector<16xf32>,
      %gather3A_202 = tpu.vector_load_idx %arg9[%add3A_168, %broadcast_in_dim3A_200] : memref<512x64xf32, #tpu.memory_space<vmem>>[vector<16xi32>, vector<16xi32>], vector<16xf32>,
      %mul3A_203 = arith.mulf %gather3A_201, %gather3A_202 : vector<16xf32>
      %add3A_204 = arith.addf %add3A_198, %mul3A_203 : vector<16xf32>
      %broadcast_in_dim3A_205 = arith.constant 6 : i32
      %broadcast_in_dim3A_206 = vector.broadcast %broadcast_in_dim3A_205 : i32 to vector<16xi32>
      %gather3A_207 = tpu.vector_load_idx %arg8[%add3A_168, %broadcast_in_dim3A_206] : memref<512x64xf32, #tpu.memory_space<vmem>>[vector<16xi32>, vector<16xi32>], vector<16xf32>,
      %gather3A_208 = tpu.vector_load_idx %arg9[%add3A_168, %broadcast_in_dim3A_206] : memref<512x64xf32, #tpu.memory_space<vmem>>[vector<16xi32>, vector<16xi32>], vector<16xf32>,
      %mul3A_209 = arith.mulf %gather3A_207, %gather3A_208 : vector<16xf32>
      %add3A_210 = arith.addf %add3A_204, %mul3A_209 : vector<16xf32>
      %broadcast_in_dim3A_211 = arith.constant 7 : i32
      %broadcast_in_dim3A_212 = vector.broadcast %broadcast_in_dim3A_211 : i32 to vector<16xi32>
      %gather3A_213 = tpu.vector_load_idx %arg8[%add3A_168, %broadcast_in_dim3A_212] : memref<512x64xf32, #tpu.memory_space<vmem>>[vector<16xi32>, vector<16xi32>], vector<16xf32>,
      %gather3A_214 = tpu.vector_load_idx %arg9[%add3A_168, %broadcast_in_dim3A_212] : memref<512x64xf32, #tpu.memory_space<vmem>>[vector<16xi32>, vector<16xi32>], vector<16xf32>,
      %mul3A_215 = arith.mulf %gather3A_213, %gather3A_214 : vector<16xf32>
      %add3A_216 = arith.addf %add3A_210, %mul3A_215 : vector<16xf32>
      %broadcast_in_dim3A_217 = arith.constant 8 : i32
      %broadcast_in_dim3A_218 = vector.broadcast %broadcast_in_dim3A_217 : i32 to vector<16xi32>
      %gather3A_219 = tpu.vector_load_idx %arg8[%add3A_168, %broadcast_in_dim3A_218] : memref<512x64xf32, #tpu.memory_space<vmem>>[vector<16xi32>, vector<16xi32>], vector<16xf32>,
      %gather3A_220 = tpu.vector_load_idx %arg9[%add3A_168, %broadcast_in_dim3A_218] : memref<512x64xf32, #tpu.memory_space<vmem>>[vector<16xi32>, vector<16xi32>], vector<16xf32>,
      %mul3A_221 = arith.mulf %gather3A_219, %gather3A_220 : vector<16xf32>
      %add3A_222 = arith.addf %add3A_216, %mul3A_221 : vector<16xf32>
      %broadcast_in_dim3A_223 = arith.constant 9 : i32
      %broadcast_in_dim3A_224 = vector.broadcast %broadcast_in_dim3A_223 : i32 to vector<16xi32>
      %gather3A_225 = tpu.vector_load_idx %arg8[%add3A_168, %broadcast_in_dim3A_224] : memref<512x64xf32, #tpu.memory_space<vmem>>[vector<16xi32>, vector<16xi32>], vector<16xf32>,
      %gather3A_226 = tpu.vector_load_idx %arg9[%add3A_168, %broadcast_in_dim3A_224] : memref<512x64xf32, #tpu.memory_space<vmem>>[vector<16xi32>, vector<16xi32>], vector<16xf32>,
      %mul3A_227 = arith.mulf %gather3A_225, %gather3A_226 : vector<16xf32>
      %add3A_228 = arith.addf %add3A_222, %mul3A_227 : vector<16xf32>
      %broadcast_in_dim3A_229 = arith.constant 10 : i32
      %broadcast_in_dim3A_230 = vector.broadcast %broadcast_in_dim3A_229 : i32 to vector<16xi32>
      %gather3A_231 = tpu.vector_load_idx %arg8[%add3A_168, %broadcast_in_dim3A_230] : memref<512x64xf32, #tpu.memory_space<vmem>>[vector<16xi32>, vector<16xi32>], vector<16xf32>,
      %gather3A_232 = tpu.vector_load_idx %arg9[%add3A_168, %broadcast_in_dim3A_230] : memref<512x64xf32, #tpu.memory_space<vmem>>[vector<16xi32>, vector<16xi32>], vector<16xf32>,
      %mul3A_233 = arith.mulf %gather3A_231, %gather3A_232 : vector<16xf32>
      %add3A_234 = arith.addf %add3A_228, %mul3A_233 : vector<16xf32>
      %broadcast_in_dim3A_235 = arith.constant 11 : i32
      %broadcast_in_dim3A_236 = vector.broadcast %broadcast_in_dim3A_235 : i32 to vector<16xi32>
      %gather3A_237 = tpu.vector_load_idx %arg8[%add3A_168, %broadcast_in_dim3A_236] : memref<512x64xf32, #tpu.memory_space<vmem>>[vector<16xi32>, vector<16xi32>], vector<16xf32>,
      %gather3A_238 = tpu.vector_load_idx %arg9[%add3A_168, %broadcast_in_dim3A_236] : memref<512x64xf32, #tpu.memory_space<vmem>>[vector<16xi32>, vector<16xi32>], vector<16xf32>,
      %mul3A_239 = arith.mulf %gather3A_237, %gather3A_238 : vector<16xf32>
      %add3A_240 = arith.addf %add3A_234, %mul3A_239 : vector<16xf32>
      %broadcast_in_dim3A_241 = arith.constant 12 : i32
      %broadcast_in_dim3A_242 = vector.broadcast %broadcast_in_dim3A_241 : i32 to vector<16xi32>
      %gather3A_243 = tpu.vector_load_idx %arg8[%add3A_168, %broadcast_in_dim3A_242] : memref<512x64xf32, #tpu.memory_space<vmem>>[vector<16xi32>, vector<16xi32>], vector<16xf32>,
      %gather3A_244 = tpu.vector_load_idx %arg9[%add3A_168, %broadcast_in_dim3A_242] : memref<512x64xf32, #tpu.memory_space<vmem>>[vector<16xi32>, vector<16xi32>], vector<16xf32>,
      %mul3A_245 = arith.mulf %gather3A_243, %gather3A_244 : vector<16xf32>
      %add3A_246 = arith.addf %add3A_240, %mul3A_245 : vector<16xf32>
      %broadcast_in_dim3A_247 = arith.constant 13 : i32
      %broadcast_in_dim3A_248 = vector.broadcast %broadcast_in_dim3A_247 : i32 to vector<16xi32>
      %gather3A_249 = tpu.vector_load_idx %arg8[%add3A_168, %broadcast_in_dim3A_248] : memref<512x64xf32, #tpu.memory_space<vmem>>[vector<16xi32>, vector<16xi32>], vector<16xf32>,
      %gather3A_250 = tpu.vector_load_idx %arg9[%add3A_168, %broadcast_in_dim3A_248] : memref<512x64xf32, #tpu.memory_space<vmem>>[vector<16xi32>, vector<16xi32>], vector<16xf32>,
      %mul3A_251 = arith.mulf %gather3A_249, %gather3A_250 : vector<16xf32>
      %add3A_252 = arith.addf %add3A_246, %mul3A_251 : vector<16xf32>
      %broadcast_in_dim3A_253 = arith.constant 14 : i32
      %broadcast_in_dim3A_254 = vector.broadcast %broadcast_in_dim3A_253 : i32 to vector<16xi32>
      %gather3A_255 = tpu.vector_load_idx %arg8[%add3A_168, %broadcast_in_dim3A_254] : memref<512x64xf32, #tpu.memory_space<vmem>>[vector<16xi32>, vector<16xi32>], vector<16xf32>,
      %gather3A_256 = tpu.vector_load_idx %arg9[%add3A_168, %broadcast_in_dim3A_254] : memref<512x64xf32, #tpu.memory_space<vmem>>[vector<16xi32>, vector<16xi32>], vector<16xf32>,
      %mul3A_257 = arith.mulf %gather3A_255, %gather3A_256 : vector<16xf32>
      %add3A_258 = arith.addf %add3A_252, %mul3A_257 : vector<16xf32>
      %broadcast_in_dim3A_259 = arith.constant 15 : i32
      %broadcast_in_dim3A_260 = vector.broadcast %broadcast_in_dim3A_259 : i32 to vector<16xi32>
      %gather3A_261 = tpu.vector_load_idx %arg8[%add3A_168, %broadcast_in_dim3A_260] : memref<512x64xf32, #tpu.memory_space<vmem>>[vector<16xi32>, vector<16xi32>], vector<16xf32>,
      %gather3A_262 = tpu.vector_load_idx %arg9[%add3A_168, %broadcast_in_dim3A_260] : memref<512x64xf32, #tpu.memory_space<vmem>>[vector<16xi32>, vector<16xi32>], vector<16xf32>,
      %mul3A_263 = arith.mulf %gather3A_261, %gather3A_262 : vector<16xf32>
      %add3A_264 = arith.addf %add3A_258, %mul3A_263 : vector<16xf32>
      %broadcast_in_dim3A_265 = arith.constant 16 : i32
      %broadcast_in_dim3A_266 = vector.broadcast %broadcast_in_dim3A_265 : i32 to vector<16xi32>
      %gather3A_267 = tpu.vector_load_idx %arg8[%add3A_168, %broadcast_in_dim3A_266] : memref<512x64xf32, #tpu.memory_space<vmem>>[vector<16xi32>, vector<16xi32>], vector<16xf32>,
      %gather3A_268 = tpu.vector_load_idx %arg9[%add3A_168, %broadcast_in_dim3A_266] : memref<512x64xf32, #tpu.memory_space<vmem>>[vector<16xi32>, vector<16xi32>], vector<16xf32>,
      %mul3A_269 = arith.mulf %gather3A_267, %gather3A_268 : vector<16xf32>
      %add3A_270 = arith.addf %add3A_264, %mul3A_269 : vector<16xf32>
      %broadcast_in_dim3A_271 = arith.constant 17 : i32
      %broadcast_in_dim3A_272 = vector.broadcast %broadcast_in_dim3A_271 : i32 to vector<16xi32>
      %gather3A_273 = tpu.vector_load_idx %arg8[%add3A_168, %broadcast_in_dim3A_272] : memref<512x64xf32, #tpu.memory_space<vmem>>[vector<16xi32>, vector<16xi32>], vector<16xf32>,
      %gather3A_274 = tpu.vector_load_idx %arg9[%add3A_168, %broadcast_in_dim3A_272] : memref<512x64xf32, #tpu.memory_space<vmem>>[vector<16xi32>, vector<16xi32>], vector<16xf32>,
      %mul3A_275 = arith.mulf %gather3A_273, %gather3A_274 : vector<16xf32>
      %add3A_276 = arith.addf %add3A_270, %mul3A_275 : vector<16xf32>
      %broadcast_in_dim3A_277 = arith.constant 18 : i32
      %broadcast_in_dim3A_278 = vector.broadcast %broadcast_in_dim3A_277 : i32 to vector<16xi32>
      %gather3A_279 = tpu.vector_load_idx %arg8[%add3A_168, %broadcast_in_dim3A_278] : memref<512x64xf32, #tpu.memory_space<vmem>>[vector<16xi32>, vector<16xi32>], vector<16xf32>,
      %gather3A_280 = tpu.vector_load_idx %arg9[%add3A_168, %broadcast_in_dim3A_278] : memref<512x64xf32, #tpu.memory_space<vmem>>[vector<16xi32>, vector<16xi32>], vector<16xf32>,
      %mul3A_281 = arith.mulf %gather3A_279, %gather3A_280 : vector<16xf32>
      %add3A_282 = arith.addf %add3A_276, %mul3A_281 : vector<16xf32>
      %broadcast_in_dim3A_283 = arith.constant 19 : i32
      %broadcast_in_dim3A_284 = vector.broadcast %broadcast_in_dim3A_283 : i32 to vector<16xi32>
      %gather3A_285 = tpu.vector_load_idx %arg8[%add3A_168, %broadcast_in_dim3A_284] : memref<512x64xf32, #tpu.memory_space<vmem>>[vector<16xi32>, vector<16xi32>], vector<16xf32>,
      %gather3A_286 = tpu.vector_load_idx %arg9[%add3A_168, %broadcast_in_dim3A_284] : memref<512x64xf32, #tpu.memory_space<vmem>>[vector<16xi32>, vector<16xi32>], vector<16xf32>,
      %mul3A_287 = arith.mulf %gather3A_285, %gather3A_286 : vector<16xf32>
      %add3A_288 = arith.addf %add3A_282, %mul3A_287 : vector<16xf32>
      %broadcast_in_dim3A_289 = arith.constant 20 : i32
      %broadcast_in_dim3A_290 = vector.broadcast %broadcast_in_dim3A_289 : i32 to vector<16xi32>
      %gather3A_291 = tpu.vector_load_idx %arg8[%add3A_168, %broadcast_in_dim3A_290] : memref<512x64xf32, #tpu.memory_space<vmem>>[vector<16xi32>, vector<16xi32>], vector<16xf32>,
      %gather3A_292 = tpu.vector_load_idx %arg9[%add3A_168, %broadcast_in_dim3A_290] : memref<512x64xf32, #tpu.memory_space<vmem>>[vector<16xi32>, vector<16xi32>], vector<16xf32>,
      %mul3A_293 = arith.mulf %gather3A_291, %gather3A_292 : vector<16xf32>
      %add3A_294 = arith.addf %add3A_288, %mul3A_293 : vector<16xf32>
      %broadcast_in_dim3A_295 = arith.constant 21 : i32
      %broadcast_in_dim3A_296 = vector.broadcast %broadcast_in_dim3A_295 : i32 to vector<16xi32>
      %gather3A_297 = tpu.vector_load_idx %arg8[%add3A_168, %broadcast_in_dim3A_296] : memref<512x64xf32, #tpu.memory_space<vmem>>[vector<16xi32>, vector<16xi32>], vector<16xf32>,
      %gather3A_298 = tpu.vector_load_idx %arg9[%add3A_168, %broadcast_in_dim3A_296] : memref<512x64xf32, #tpu.memory_space<vmem>>[vector<16xi32>, vector<16xi32>], vector<16xf32>,
      %mul3A_299 = arith.mulf %gather3A_297, %gather3A_298 : vector<16xf32>
      %add3A_300 = arith.addf %add3A_294, %mul3A_299 : vector<16xf32>
      %broadcast_in_dim3A_301 = arith.constant 22 : i32
      %broadcast_in_dim3A_302 = vector.broadcast %broadcast_in_dim3A_301 : i32 to vector<16xi32>
      %gather3A_303 = tpu.vector_load_idx %arg8[%add3A_168, %broadcast_in_dim3A_302] : memref<512x64xf32, #tpu.memory_space<vmem>>[vector<16xi32>, vector<16xi32>], vector<16xf32>,
      %gather3A_304 = tpu.vector_load_idx %arg9[%add3A_168, %broadcast_in_dim3A_302] : memref<512x64xf32, #tpu.memory_space<vmem>>[vector<16xi32>, vector<16xi32>], vector<16xf32>,
      %mul3A_305 = arith.mulf %gather3A_303, %gather3A_304 : vector<16xf32>
      %add3A_306 = arith.addf %add3A_300, %mul3A_305 : vector<16xf32>
      %broadcast_in_dim3A_307 = arith.constant 23 : i32
      %broadcast_in_dim3A_308 = vector.broadcast %broadcast_in_dim3A_307 : i32 to vector<16xi32>
      %gather3A_309 = tpu.vector_load_idx %arg8[%add3A_168, %broadcast_in_dim3A_308] : memref<512x64xf32, #tpu.memory_space<vmem>>[vector<16xi32>, vector<16xi32>], vector<16xf32>,
      %gather3A_310 = tpu.vector_load_idx %arg9[%add3A_168, %broadcast_in_dim3A_308] : memref<512x64xf32, #tpu.memory_space<vmem>>[vector<16xi32>, vector<16xi32>], vector<16xf32>,
      %mul3A_311 = arith.mulf %gather3A_309, %gather3A_310 : vector<16xf32>
      %add3A_312 = arith.addf %add3A_306, %mul3A_311 : vector<16xf32>
      %broadcast_in_dim3A_313 = arith.constant 24 : i32
      %broadcast_in_dim3A_314 = vector.broadcast %broadcast_in_dim3A_313 : i32 to vector<16xi32>
      %gather3A_315 = tpu.vector_load_idx %arg8[%add3A_168, %broadcast_in_dim3A_314] : memref<512x64xf32, #tpu.memory_space<vmem>>[vector<16xi32>, vector<16xi32>], vector<16xf32>,
      %gather3A_316 = tpu.vector_load_idx %arg9[%add3A_168, %broadcast_in_dim3A_314] : memref<512x64xf32, #tpu.memory_space<vmem>>[vector<16xi32>, vector<16xi32>], vector<16xf32>,
      %mul3A_317 = arith.mulf %gather3A_315, %gather3A_316 : vector<16xf32>
      %add3A_318 = arith.addf %add3A_312, %mul3A_317 : vector<16xf32>
      %broadcast_in_dim3A_319 = arith.constant 25 : i32
      %broadcast_in_dim3A_320 = vector.broadcast %broadcast_in_dim3A_319 : i32 to vector<16xi32>
      %gather3A_321 = tpu.vector_load_idx %arg8[%add3A_168, %broadcast_in_dim3A_320] : memref<512x64xf32, #tpu.memory_space<vmem>>[vector<16xi32>, vector<16xi32>], vector<16xf32>,
      %gather3A_322 = tpu.vector_load_idx %arg9[%add3A_168, %broadcast_in_dim3A_320] : memref<512x64xf32, #tpu.memory_space<vmem>>[vector<16xi32>, vector<16xi32>], vector<16xf32>,
      %mul3A_323 = arith.mulf %gather3A_321, %gather3A_322 : vector<16xf32>
      %add3A_324 = arith.addf %add3A_318, %mul3A_323 : vector<16xf32>
      %broadcast_in_dim3A_325 = arith.constant 26 : i32
      %broadcast_in_dim3A_326 = vector.broadcast %broadcast_in_dim3A_325 : i32 to vector<16xi32>
      %gather3A_327 = tpu.vector_load_idx %arg8[%add3A_168, %broadcast_in_dim3A_326] : memref<512x64xf32, #tpu.memory_space<vmem>>[vector<16xi32>, vector<16xi32>], vector<16xf32>,
      %gather3A_328 = tpu.vector_load_idx %arg9[%add3A_168, %broadcast_in_dim3A_326] : memref<512x64xf32, #tpu.memory_space<vmem>>[vector<16xi32>, vector<16xi32>], vector<16xf32>,
      %mul3A_329 = arith.mulf %gather3A_327, %gather3A_328 : vector<16xf32>
      %add3A_330 = arith.addf %add3A_324, %mul3A_329 : vector<16xf32>
      %broadcast_in_dim3A_331 = arith.constant 27 : i32
      %broadcast_in_dim3A_332 = vector.broadcast %broadcast_in_dim3A_331 : i32 to vector<16xi32>
      %gather3A_333 = tpu.vector_load_idx %arg8[%add3A_168, %broadcast_in_dim3A_332] : memref<512x64xf32, #tpu.memory_space<vmem>>[vector<16xi32>, vector<16xi32>], vector<16xf32>,
      %gather3A_334 = tpu.vector_load_idx %arg9[%add3A_168, %broadcast_in_dim3A_332] : memref<512x64xf32, #tpu.memory_space<vmem>>[vector<16xi32>, vector<16xi32>], vector<16xf32>,
      %mul3A_335 = arith.mulf %gather3A_333, %gather3A_334 : vector<16xf32>
      %add3A_336 = arith.addf %add3A_330, %mul3A_335 : vector<16xf32>
      %broadcast_in_dim3A_337 = arith.constant 28 : i32
      %broadcast_in_dim3A_338 = vector.broadcast %broadcast_in_dim3A_337 : i32 to vector<16xi32>
      %gather3A_339 = tpu.vector_load_idx %arg8[%add3A_168, %broadcast_in_dim3A_338] : memref<512x64xf32, #tpu.memory_space<vmem>>[vector<16xi32>, vector<16xi32>], vector<16xf32>,
      %gather3A_340 = tpu.vector_load_idx %arg9[%add3A_168, %broadcast_in_dim3A_338] : memref<512x64xf32, #tpu.memory_space<vmem>>[vector<16xi32>, vector<16xi32>], vector<16xf32>,
      %mul3A_341 = arith.mulf %gather3A_339, %gather3A_340 : vector<16xf32>
      %add3A_342 = arith.addf %add3A_336, %mul3A_341 : vector<16xf32>
      %broadcast_in_dim3A_343 = arith.constant 29 : i32
      %broadcast_in_dim3A_344 = vector.broadcast %broadcast_in_dim3A_343 : i32 to vector<16xi32>
      %gather3A_345 = tpu.vector_load_idx %arg8[%add3A_168, %broadcast_in_dim3A_344] : memref<512x64xf32, #tpu.memory_space<vmem>>[vector<16xi32>, vector<16xi32>], vector<16xf32>,
      %gather3A_346 = tpu.vector_load_idx %arg9[%add3A_168, %broadcast_in_dim3A_344] : memref<512x64xf32, #tpu.memory_space<vmem>>[vector<16xi32>, vector<16xi32>], vector<16xf32>,
      %mul3A_347 = arith.mulf %gather3A_345, %gather3A_346 : vector<16xf32>
      %add3A_348 = arith.addf %add3A_342, %mul3A_347 : vector<16xf32>
      %broadcast_in_dim3A_349 = arith.constant 30 : i32
      %broadcast_in_dim3A_350 = vector.broadcast %broadcast_in_dim3A_349 : i32 to vector<16xi32>
      %gather3A_351 = tpu.vector_load_idx %arg8[%add3A_168, %broadcast_in_dim3A_350] : memref<512x64xf32, #tpu.memory_space<vmem>>[vector<16xi32>, vector<16xi32>], vector<16xf32>,
      %gather3A_352 = tpu.vector_load_idx %arg9[%add3A_168, %broadcast_in_dim3A_350] : memref<512x64xf32, #tpu.memory_space<vmem>>[vector<16xi32>, vector<16xi32>], vector<16xf32>,
      %mul3A_353 = arith.mulf %gather3A_351, %gather3A_352 : vector<16xf32>
      %add3A_354 = arith.addf %add3A_348, %mul3A_353 : vector<16xf32>
      %broadcast_in_dim3A_355 = arith.constant 31 : i32
      %broadcast_in_dim3A_356 = vector.broadcast %broadcast_in_dim3A_355 : i32 to vector<16xi32>
      %gather3A_357 = tpu.vector_load_idx %arg8[%add3A_168, %broadcast_in_dim3A_356] : memref<512x64xf32, #tpu.memory_space<vmem>>[vector<16xi32>, vector<16xi32>], vector<16xf32>,
      %gather3A_358 = tpu.vector_load_idx %arg9[%add3A_168, %broadcast_in_dim3A_356] : memref<512x64xf32, #tpu.memory_space<vmem>>[vector<16xi32>, vector<16xi32>], vector<16xf32>,
      %mul3A_359 = arith.mulf %gather3A_357, %gather3A_358 : vector<16xf32>
      %add3A_360 = arith.addf %add3A_354, %mul3A_359 : vector<16xf32>
      %broadcast_in_dim3A_361 = arith.constant 32 : i32
      %broadcast_in_dim3A_362 = vector.broadcast %broadcast_in_dim3A_361 : i32 to vector<16xi32>
      %gather3A_363 = tpu.vector_load_idx %arg8[%add3A_168, %broadcast_in_dim3A_362] : memref<512x64xf32, #tpu.memory_space<vmem>>[vector<16xi32>, vector<16xi32>], vector<16xf32>,
      %gather3A_364 = tpu.vector_load_idx %arg9[%add3A_168, %broadcast_in_dim3A_362] : memref<512x64xf32, #tpu.memory_space<vmem>>[vector<16xi32>, vector<16xi32>], vector<16xf32>,
      %mul3A_365 = arith.mulf %gather3A_363, %gather3A_364 : vector<16xf32>
      %add3A_366 = arith.addf %add3A_360, %mul3A_365 : vector<16xf32>
      %broadcast_in_dim3A_367 = arith.constant 33 : i32
      %broadcast_in_dim3A_368 = vector.broadcast %broadcast_in_dim3A_367 : i32 to vector<16xi32>
      %gather3A_369 = tpu.vector_load_idx %arg8[%add3A_168, %broadcast_in_dim3A_368] : memref<512x64xf32, #tpu.memory_space<vmem>>[vector<16xi32>, vector<16xi32>], vector<16xf32>,
      %gather3A_370 = tpu.vector_load_idx %arg9[%add3A_168, %broadcast_in_dim3A_368] : memref<512x64xf32, #tpu.memory_space<vmem>>[vector<16xi32>, vector<16xi32>], vector<16xf32>,
      %mul3A_371 = arith.mulf %gather3A_369, %gather3A_370 : vector<16xf32>
      %add3A_372 = arith.addf %add3A_366, %mul3A_371 : vector<16xf32>
      %broadcast_in_dim3A_373 = arith.constant 34 : i32
      %broadcast_in_dim3A_374 = vector.broadcast %broadcast_in_dim3A_373 : i32 to vector<16xi32>
      %gather3A_375 = tpu.vector_load_idx %arg8[%add3A_168, %broadcast_in_dim3A_374] : memref<512x64xf32, #tpu.memory_space<vmem>>[vector<16xi32>, vector<16xi32>], vector<16xf32>,
      %gather3A_376 = tpu.vector_load_idx %arg9[%add3A_168, %broadcast_in_dim3A_374] : memref<512x64xf32, #tpu.memory_space<vmem>>[vector<16xi32>, vector<16xi32>], vector<16xf32>,
      %mul3A_377 = arith.mulf %gather3A_375, %gather3A_376 : vector<16xf32>
      %add3A_378 = arith.addf %add3A_372, %mul3A_377 : vector<16xf32>
      %broadcast_in_dim3A_379 = arith.constant 35 : i32
      %broadcast_in_dim3A_380 = vector.broadcast %broadcast_in_dim3A_379 : i32 to vector<16xi32>
      %gather3A_381 = tpu.vector_load_idx %arg8[%add3A_168, %broadcast_in_dim3A_380] : memref<512x64xf32, #tpu.memory_space<vmem>>[vector<16xi32>, vector<16xi32>], vector<16xf32>,
      %gather3A_382 = tpu.vector_load_idx %arg9[%add3A_168, %broadcast_in_dim3A_380] : memref<512x64xf32, #tpu.memory_space<vmem>>[vector<16xi32>, vector<16xi32>], vector<16xf32>,
      %mul3A_383 = arith.mulf %gather3A_381, %gather3A_382 : vector<16xf32>
      %add3A_384 = arith.addf %add3A_378, %mul3A_383 : vector<16xf32>
      %broadcast_in_dim3A_385 = arith.constant 36 : i32
      %broadcast_in_dim3A_386 = vector.broadcast %broadcast_in_dim3A_385 : i32 to vector<16xi32>
      %gather3A_387 = tpu.vector_load_idx %arg8[%add3A_168, %broadcast_in_dim3A_386] : memref<512x64xf32, #tpu.memory_space<vmem>>[vector<16xi32>, vector<16xi32>], vector<16xf32>,
      %gather3A_388 = tpu.vector_load_idx %arg9[%add3A_168, %broadcast_in_dim3A_386] : memref<512x64xf32, #tpu.memory_space<vmem>>[vector<16xi32>, vector<16xi32>], vector<16xf32>,
      %mul3A_389 = arith.mulf %gather3A_387, %gather3A_388 : vector<16xf32>
      %add3A_390 = arith.addf %add3A_384, %mul3A_389 : vector<16xf32>
      %broadcast_in_dim3A_391 = arith.constant 37 : i32
      %broadcast_in_dim3A_392 = vector.broadcast %broadcast_in_dim3A_391 : i32 to vector<16xi32>
      %gather3A_393 = tpu.vector_load_idx %arg8[%add3A_168, %broadcast_in_dim3A_392] : memref<512x64xf32, #tpu.memory_space<vmem>>[vector<16xi32>, vector<16xi32>], vector<16xf32>,
      %gather3A_394 = tpu.vector_load_idx %arg9[%add3A_168, %broadcast_in_dim3A_392] : memref<512x64xf32, #tpu.memory_space<vmem>>[vector<16xi32>, vector<16xi32>], vector<16xf32>,
      %mul3A_395 = arith.mulf %gather3A_393, %gather3A_394 : vector<16xf32>
      %add3A_396 = arith.addf %add3A_390, %mul3A_395 : vector<16xf32>
      %broadcast_in_dim3A_397 = arith.constant 38 : i32
      %broadcast_in_dim3A_398 = vector.broadcast %broadcast_in_dim3A_397 : i32 to vector<16xi32>
      %gather3A_399 = tpu.vector_load_idx %arg8[%add3A_168, %broadcast_in_dim3A_398] : memref<512x64xf32, #tpu.memory_space<vmem>>[vector<16xi32>, vector<16xi32>], vector<16xf32>,
      %gather3A_400 = tpu.vector_load_idx %arg9[%add3A_168, %broadcast_in_dim3A_398] : memref<512x64xf32, #tpu.memory_space<vmem>>[vector<16xi32>, vector<16xi32>], vector<16xf32>,
      %mul3A_401 = arith.mulf %gather3A_399, %gather3A_400 : vector<16xf32>
      %add3A_402 = arith.addf %add3A_396, %mul3A_401 : vector<16xf32>
      %broadcast_in_dim3A_403 = arith.constant 39 : i32
      %broadcast_in_dim3A_404 = vector.broadcast %broadcast_in_dim3A_403 : i32 to vector<16xi32>
      %gather3A_405 = tpu.vector_load_idx %arg8[%add3A_168, %broadcast_in_dim3A_404] : memref<512x64xf32, #tpu.memory_space<vmem>>[vector<16xi32>, vector<16xi32>], vector<16xf32>,
      %gather3A_406 = tpu.vector_load_idx %arg9[%add3A_168, %broadcast_in_dim3A_404] : memref<512x64xf32, #tpu.memory_space<vmem>>[vector<16xi32>, vector<16xi32>], vector<16xf32>,
      %mul3A_407 = arith.mulf %gather3A_405, %gather3A_406 : vector<16xf32>
      %add3A_408 = arith.addf %add3A_402, %mul3A_407 : vector<16xf32>
      %broadcast_in_dim3A_409 = arith.constant 40 : i32
      %broadcast_in_dim3A_410 = vector.broadcast %broadcast_in_dim3A_409 : i32 to vector<16xi32>
      %gather3A_411 = tpu.vector_load_idx %arg8[%add3A_168, %broadcast_in_dim3A_410] : memref<512x64xf32, #tpu.memory_space<vmem>>[vector<16xi32>, vector<16xi32>], vector<16xf32>,
      %gather3A_412 = tpu.vector_load_idx %arg9[%add3A_168, %broadcast_in_dim3A_410] : memref<512x64xf32, #tpu.memory_space<vmem>>[vector<16xi32>, vector<16xi32>], vector<16xf32>,
      %mul3A_413 = arith.mulf %gather3A_411, %gather3A_412 : vector<16xf32>
      %add3A_414 = arith.addf %add3A_408, %mul3A_413 : vector<16xf32>
      %broadcast_in_dim3A_415 = arith.constant 41 : i32
      %broadcast_in_dim3A_416 = vector.broadcast %broadcast_in_dim3A_415 : i32 to vector<16xi32>
      %gather3A_417 = tpu.vector_load_idx %arg8[%add3A_168, %broadcast_in_dim3A_416] : memref<512x64xf32, #tpu.memory_space<vmem>>[vector<16xi32>, vector<16xi32>], vector<16xf32>,
      %gather3A_418 = tpu.vector_load_idx %arg9[%add3A_168, %broadcast_in_dim3A_416] : memref<512x64xf32, #tpu.memory_space<vmem>>[vector<16xi32>, vector<16xi32>], vector<16xf32>,
      %mul3A_419 = arith.mulf %gather3A_417, %gather3A_418 : vector<16xf32>
      %add3A_420 = arith.addf %add3A_414, %mul3A_419 : vector<16xf32>
      %broadcast_in_dim3A_421 = arith.constant 42 : i32
      %broadcast_in_dim3A_422 = vector.broadcast %broadcast_in_dim3A_421 : i32 to vector<16xi32>
      %gather3A_423 = tpu.vector_load_idx %arg8[%add3A_168, %broadcast_in_dim3A_422] : memref<512x64xf32, #tpu.memory_space<vmem>>[vector<16xi32>, vector<16xi32>], vector<16xf32>,
      %gather3A_424 = tpu.vector_load_idx %arg9[%add3A_168, %broadcast_in_dim3A_422] : memref<512x64xf32, #tpu.memory_space<vmem>>[vector<16xi32>, vector<16xi32>], vector<16xf32>,
      %mul3A_425 = arith.mulf %gather3A_423, %gather3A_424 : vector<16xf32>
      %add3A_426 = arith.addf %add3A_420, %mul3A_425 : vector<16xf32>
      %broadcast_in_dim3A_427 = arith.constant 43 : i32
      %broadcast_in_dim3A_428 = vector.broadcast %broadcast_in_dim3A_427 : i32 to vector<16xi32>
      %gather3A_429 = tpu.vector_load_idx %arg8[%add3A_168, %broadcast_in_dim3A_428] : memref<512x64xf32, #tpu.memory_space<vmem>>[vector<16xi32>, vector<16xi32>], vector<16xf32>,
      %gather3A_430 = tpu.vector_load_idx %arg9[%add3A_168, %broadcast_in_dim3A_428] : memref<512x64xf32, #tpu.memory_space<vmem>>[vector<16xi32>, vector<16xi32>], vector<16xf32>,
      %mul3A_431 = arith.mulf %gather3A_429, %gather3A_430 : vector<16xf32>
      %add3A_432 = arith.addf %add3A_426, %mul3A_431 : vector<16xf32>
      %broadcast_in_dim3A_433 = arith.constant 44 : i32
      %broadcast_in_dim3A_434 = vector.broadcast %broadcast_in_dim3A_433 : i32 to vector<16xi32>
      %gather3A_435 = tpu.vector_load_idx %arg8[%add3A_168, %broadcast_in_dim3A_434] : memref<512x64xf32, #tpu.memory_space<vmem>>[vector<16xi32>, vector<16xi32>], vector<16xf32>,
      %gather3A_436 = tpu.vector_load_idx %arg9[%add3A_168, %broadcast_in_dim3A_434] : memref<512x64xf32, #tpu.memory_space<vmem>>[vector<16xi32>, vector<16xi32>], vector<16xf32>,
      %mul3A_437 = arith.mulf %gather3A_435, %gather3A_436 : vector<16xf32>
      %add3A_438 = arith.addf %add3A_432, %mul3A_437 : vector<16xf32>
      %broadcast_in_dim3A_439 = arith.constant 45 : i32
      %broadcast_in_dim3A_440 = vector.broadcast %broadcast_in_dim3A_439 : i32 to vector<16xi32>
      %gather3A_441 = tpu.vector_load_idx %arg8[%add3A_168, %broadcast_in_dim3A_440] : memref<512x64xf32, #tpu.memory_space<vmem>>[vector<16xi32>, vector<16xi32>], vector<16xf32>,
      %gather3A_442 = tpu.vector_load_idx %arg9[%add3A_168, %broadcast_in_dim3A_440] : memref<512x64xf32, #tpu.memory_space<vmem>>[vector<16xi32>, vector<16xi32>], vector<16xf32>,
      %mul3A_443 = arith.mulf %gather3A_441, %gather3A_442 : vector<16xf32>
      %add3A_444 = arith.addf %add3A_438, %mul3A_443 : vector<16xf32>
      %broadcast_in_dim3A_445 = arith.constant 46 : i32
      %broadcast_in_dim3A_446 = vector.broadcast %broadcast_in_dim3A_445 : i32 to vector<16xi32>
      %gather3A_447 = tpu.vector_load_idx %arg8[%add3A_168, %broadcast_in_dim3A_446] : memref<512x64xf32, #tpu.memory_space<vmem>>[vector<16xi32>, vector<16xi32>], vector<16xf32>,
      %gather3A_448 = tpu.vector_load_idx %arg9[%add3A_168, %broadcast_in_dim3A_446] : memref<512x64xf32, #tpu.memory_space<vmem>>[vector<16xi32>, vector<16xi32>], vector<16xf32>,
      %mul3A_449 = arith.mulf %gather3A_447, %gather3A_448 : vector<16xf32>
      %add3A_450 = arith.addf %add3A_444, %mul3A_449 : vector<16xf32>
      %broadcast_in_dim3A_451 = arith.constant 47 : i32
      %broadcast_in_dim3A_452 = vector.broadcast %broadcast_in_dim3A_451 : i32 to vector<16xi32>
      %gather3A_453 = tpu.vector_load_idx %arg8[%add3A_168, %broadcast_in_dim3A_452] : memref<512x64xf32, #tpu.memory_space<vmem>>[vector<16xi32>, vector<16xi32>], vector<16xf32>,
      %gather3A_454 = tpu.vector_load_idx %arg9[%add3A_168, %broadcast_in_dim3A_452] : memref<512x64xf32, #tpu.memory_space<vmem>>[vector<16xi32>, vector<16xi32>], vector<16xf32>,
      %mul3A_455 = arith.mulf %gather3A_453, %gather3A_454 : vector<16xf32>
      %add3A_456 = arith.addf %add3A_450, %mul3A_455 : vector<16xf32>
      %broadcast_in_dim3A_457 = arith.constant 48 : i32
      %broadcast_in_dim3A_458 = vector.broadcast %broadcast_in_dim3A_457 : i32 to vector<16xi32>
      %gather3A_459 = tpu.vector_load_idx %arg8[%add3A_168, %broadcast_in_dim3A_458] : memref<512x64xf32, #tpu.memory_space<vmem>>[vector<16xi32>, vector<16xi32>], vector<16xf32>,
      %gather3A_460 = tpu.vector_load_idx %arg9[%add3A_168, %broadcast_in_dim3A_458] : memref<512x64xf32, #tpu.memory_space<vmem>>[vector<16xi32>, vector<16xi32>], vector<16xf32>,
      %mul3A_461 = arith.mulf %gather3A_459, %gather3A_460 : vector<16xf32>
      %add3A_462 = arith.addf %add3A_456, %mul3A_461 : vector<16xf32>
      %broadcast_in_dim3A_463 = arith.constant 49 : i32
      %broadcast_in_dim3A_464 = vector.broadcast %broadcast_in_dim3A_463 : i32 to vector<16xi32>
      %gather3A_465 = tpu.vector_load_idx %arg8[%add3A_168, %broadcast_in_dim3A_464] : memref<512x64xf32, #tpu.memory_space<vmem>>[vector<16xi32>, vector<16xi32>], vector<16xf32>,
      %gather3A_466 = tpu.vector_load_idx %arg9[%add3A_168, %broadcast_in_dim3A_464] : memref<512x64xf32, #tpu.memory_space<vmem>>[vector<16xi32>, vector<16xi32>], vector<16xf32>,
      %mul3A_467 = arith.mulf %gather3A_465, %gather3A_466 : vector<16xf32>
      %add3A_468 = arith.addf %add3A_462, %mul3A_467 : vector<16xf32>
      %broadcast_in_dim3A_469 = arith.constant 50 : i32
      %broadcast_in_dim3A_470 = vector.broadcast %broadcast_in_dim3A_469 : i32 to vector<16xi32>
      %gather3A_471 = tpu.vector_load_idx %arg8[%add3A_168, %broadcast_in_dim3A_470] : memref<512x64xf32, #tpu.memory_space<vmem>>[vector<16xi32>, vector<16xi32>], vector<16xf32>,
      %gather3A_472 = tpu.vector_load_idx %arg9[%add3A_168, %broadcast_in_dim3A_470] : memref<512x64xf32, #tpu.memory_space<vmem>>[vector<16xi32>, vector<16xi32>], vector<16xf32>,
      %mul3A_473 = arith.mulf %gather3A_471, %gather3A_472 : vector<16xf32>
      %add3A_474 = arith.addf %add3A_468, %mul3A_473 : vector<16xf32>
      %broadcast_in_dim3A_475 = arith.constant 51 : i32
      %broadcast_in_dim3A_476 = vector.broadcast %broadcast_in_dim3A_475 : i32 to vector<16xi32>
      %gather3A_477 = tpu.vector_load_idx %arg8[%add3A_168, %broadcast_in_dim3A_476] : memref<512x64xf32, #tpu.memory_space<vmem>>[vector<16xi32>, vector<16xi32>], vector<16xf32>,
      %gather3A_478 = tpu.vector_load_idx %arg9[%add3A_168, %broadcast_in_dim3A_476] : memref<512x64xf32, #tpu.memory_space<vmem>>[vector<16xi32>, vector<16xi32>], vector<16xf32>,
      %mul3A_479 = arith.mulf %gather3A_477, %gather3A_478 : vector<16xf32>
      %add3A_480 = arith.addf %add3A_474, %mul3A_479 : vector<16xf32>
      %broadcast_in_dim3A_481 = arith.constant 52 : i32
      %broadcast_in_dim3A_482 = vector.broadcast %broadcast_in_dim3A_481 : i32 to vector<16xi32>
      %gather3A_483 = tpu.vector_load_idx %arg8[%add3A_168, %broadcast_in_dim3A_482] : memref<512x64xf32, #tpu.memory_space<vmem>>[vector<16xi32>, vector<16xi32>], vector<16xf32>,
      %gather3A_484 = tpu.vector_load_idx %arg9[%add3A_168, %broadcast_in_dim3A_482] : memref<512x64xf32, #tpu.memory_space<vmem>>[vector<16xi32>, vector<16xi32>], vector<16xf32>,
      %mul3A_485 = arith.mulf %gather3A_483, %gather3A_484 : vector<16xf32>
      %add3A_486 = arith.addf %add3A_480, %mul3A_485 : vector<16xf32>
      %broadcast_in_dim3A_487 = arith.constant 53 : i32
      %broadcast_in_dim3A_488 = vector.broadcast %broadcast_in_dim3A_487 : i32 to vector<16xi32>
      %gather3A_489 = tpu.vector_load_idx %arg8[%add3A_168, %broadcast_in_dim3A_488] : memref<512x64xf32, #tpu.memory_space<vmem>>[vector<16xi32>, vector<16xi32>], vector<16xf32>,
      %gather3A_490 = tpu.vector_load_idx %arg9[%add3A_168, %broadcast_in_dim3A_488] : memref<512x64xf32, #tpu.memory_space<vmem>>[vector<16xi32>, vector<16xi32>], vector<16xf32>,
      %mul3A_491 = arith.mulf %gather3A_489, %gather3A_490 : vector<16xf32>
      %add3A_492 = arith.addf %add3A_486, %mul3A_491 : vector<16xf32>
      %broadcast_in_dim3A_493 = arith.constant 54 : i32
      %broadcast_in_dim3A_494 = vector.broadcast %broadcast_in_dim3A_493 : i32 to vector<16xi32>
      %gather3A_495 = tpu.vector_load_idx %arg8[%add3A_168, %broadcast_in_dim3A_494] : memref<512x64xf32, #tpu.memory_space<vmem>>[vector<16xi32>, vector<16xi32>], vector<16xf32>,
      %gather3A_496 = tpu.vector_load_idx %arg9[%add3A_168, %broadcast_in_dim3A_494] : memref<512x64xf32, #tpu.memory_space<vmem>>[vector<16xi32>, vector<16xi32>], vector<16xf32>,
      %mul3A_497 = arith.mulf %gather3A_495, %gather3A_496 : vector<16xf32>
      %add3A_498 = arith.addf %add3A_492, %mul3A_497 : vector<16xf32>
      %broadcast_in_dim3A_499 = arith.constant 55 : i32
      %broadcast_in_dim3A_500 = vector.broadcast %broadcast_in_dim3A_499 : i32 to vector<16xi32>
      %gather3A_501 = tpu.vector_load_idx %arg8[%add3A_168, %broadcast_in_dim3A_500] : memref<512x64xf32, #tpu.memory_space<vmem>>[vector<16xi32>, vector<16xi32>], vector<16xf32>,
      %gather3A_502 = tpu.vector_load_idx %arg9[%add3A_168, %broadcast_in_dim3A_500] : memref<512x64xf32, #tpu.memory_space<vmem>>[vector<16xi32>, vector<16xi32>], vector<16xf32>,
      %mul3A_503 = arith.mulf %gather3A_501, %gather3A_502 : vector<16xf32>
      %add3A_504 = arith.addf %add3A_498, %mul3A_503 : vector<16xf32>
      %broadcast_in_dim3A_505 = arith.constant 56 : i32
      %broadcast_in_dim3A_506 = vector.broadcast %broadcast_in_dim3A_505 : i32 to vector<16xi32>
      %gather3A_507 = tpu.vector_load_idx %arg8[%add3A_168, %broadcast_in_dim3A_506] : memref<512x64xf32, #tpu.memory_space<vmem>>[vector<16xi32>, vector<16xi32>], vector<16xf32>,
      %gather3A_508 = tpu.vector_load_idx %arg9[%add3A_168, %broadcast_in_dim3A_506] : memref<512x64xf32, #tpu.memory_space<vmem>>[vector<16xi32>, vector<16xi32>], vector<16xf32>,
      %mul3A_509 = arith.mulf %gather3A_507, %gather3A_508 : vector<16xf32>
      %add3A_510 = arith.addf %add3A_504, %mul3A_509 : vector<16xf32>
      %broadcast_in_dim3A_511 = arith.constant 57 : i32
      %broadcast_in_dim3A_512 = vector.broadcast %broadcast_in_dim3A_511 : i32 to vector<16xi32>
      %gather3A_513 = tpu.vector_load_idx %arg8[%add3A_168, %broadcast_in_dim3A_512] : memref<512x64xf32, #tpu.memory_space<vmem>>[vector<16xi32>, vector<16xi32>], vector<16xf32>,
      %gather3A_514 = tpu.vector_load_idx %arg9[%add3A_168, %broadcast_in_dim3A_512] : memref<512x64xf32, #tpu.memory_space<vmem>>[vector<16xi32>, vector<16xi32>], vector<16xf32>,
      %mul3A_515 = arith.mulf %gather3A_513, %gather3A_514 : vector<16xf32>
      %add3A_516 = arith.addf %add3A_510, %mul3A_515 : vector<16xf32>
      %broadcast_in_dim3A_517 = arith.constant 58 : i32
      %broadcast_in_dim3A_518 = vector.broadcast %broadcast_in_dim3A_517 : i32 to vector<16xi32>
      %gather3A_519 = tpu.vector_load_idx %arg8[%add3A_168, %broadcast_in_dim3A_518] : memref<512x64xf32, #tpu.memory_space<vmem>>[vector<16xi32>, vector<16xi32>], vector<16xf32>,
      %gather3A_520 = tpu.vector_load_idx %arg9[%add3A_168, %broadcast_in_dim3A_518] : memref<512x64xf32, #tpu.memory_space<vmem>>[vector<16xi32>, vector<16xi32>], vector<16xf32>,
      %mul3A_521 = arith.mulf %gather3A_519, %gather3A_520 : vector<16xf32>
      %add3A_522 = arith.addf %add3A_516, %mul3A_521 : vector<16xf32>
      %broadcast_in_dim3A_523 = arith.constant 59 : i32
      %broadcast_in_dim3A_524 = vector.broadcast %broadcast_in_dim3A_523 : i32 to vector<16xi32>
      %gather3A_525 = tpu.vector_load_idx %arg8[%add3A_168, %broadcast_in_dim3A_524] : memref<512x64xf32, #tpu.memory_space<vmem>>[vector<16xi32>, vector<16xi32>], vector<16xf32>,
      %gather3A_526 = tpu.vector_load_idx %arg9[%add3A_168, %broadcast_in_dim3A_524] : memref<512x64xf32, #tpu.memory_space<vmem>>[vector<16xi32>, vector<16xi32>], vector<16xf32>,
      %mul3A_527 = arith.mulf %gather3A_525, %gather3A_526 : vector<16xf32>
      %add3A_528 = arith.addf %add3A_522, %mul3A_527 : vector<16xf32>
      %broadcast_in_dim3A_529 = arith.constant 60 : i32
      %broadcast_in_dim3A_530 = vector.broadcast %broadcast_in_dim3A_529 : i32 to vector<16xi32>
      %gather3A_531 = tpu.vector_load_idx %arg8[%add3A_168, %broadcast_in_dim3A_530] : memref<512x64xf32, #tpu.memory_space<vmem>>[vector<16xi32>, vector<16xi32>], vector<16xf32>,
      %gather3A_532 = tpu.vector_load_idx %arg9[%add3A_168, %broadcast_in_dim3A_530] : memref<512x64xf32, #tpu.memory_space<vmem>>[vector<16xi32>, vector<16xi32>], vector<16xf32>,
      %mul3A_533 = arith.mulf %gather3A_531, %gather3A_532 : vector<16xf32>
      %add3A_534 = arith.addf %add3A_528, %mul3A_533 : vector<16xf32>
      %broadcast_in_dim3A_535 = arith.constant 61 : i32
      %broadcast_in_dim3A_536 = vector.broadcast %broadcast_in_dim3A_535 : i32 to vector<16xi32>
      %gather3A_537 = tpu.vector_load_idx %arg8[%add3A_168, %broadcast_in_dim3A_536] : memref<512x64xf32, #tpu.memory_space<vmem>>[vector<16xi32>, vector<16xi32>], vector<16xf32>,
      %gather3A_538 = tpu.vector_load_idx %arg9[%add3A_168, %broadcast_in_dim3A_536] : memref<512x64xf32, #tpu.memory_space<vmem>>[vector<16xi32>, vector<16xi32>], vector<16xf32>,
      %mul3A_539 = arith.mulf %gather3A_537, %gather3A_538 : vector<16xf32>
      %add3A_540 = arith.addf %add3A_534, %mul3A_539 : vector<16xf32>
      %broadcast_in_dim3A_541 = arith.constant 62 : i32
      %broadcast_in_dim3A_542 = vector.broadcast %broadcast_in_dim3A_541 : i32 to vector<16xi32>
      %gather3A_543 = tpu.vector_load_idx %arg8[%add3A_168, %broadcast_in_dim3A_542] : memref<512x64xf32, #tpu.memory_space<vmem>>[vector<16xi32>, vector<16xi32>], vector<16xf32>,
      %gather3A_544 = tpu.vector_load_idx %arg9[%add3A_168, %broadcast_in_dim3A_542] : memref<512x64xf32, #tpu.memory_space<vmem>>[vector<16xi32>, vector<16xi32>], vector<16xf32>,
      %mul3A_545 = arith.mulf %gather3A_543, %gather3A_544 : vector<16xf32>
      %add3A_546 = arith.addf %add3A_540, %mul3A_545 : vector<16xf32>
      %broadcast_in_dim3A_547 = arith.constant 63 : i32
      %broadcast_in_dim3A_548 = vector.broadcast %broadcast_in_dim3A_547 : i32 to vector<16xi32>
      %gather3A_549 = tpu.vector_load_idx %arg8[%add3A_168, %broadcast_in_dim3A_548] : memref<512x64xf32, #tpu.memory_space<vmem>>[vector<16xi32>, vector<16xi32>], vector<16xf32>,
      %gather3A_550 = tpu.vector_load_idx %arg9[%add3A_168, %broadcast_in_dim3A_548] : memref<512x64xf32, #tpu.memory_space<vmem>>[vector<16xi32>, vector<16xi32>], vector<16xf32>,
      %mul3A_551 = arith.mulf %gather3A_549, %gather3A_550 : vector<16xf32>
      %add3A_552 = arith.addf %add3A_546, %mul3A_551 : vector<16xf32>
      %mul3A_553 = arith.constant 16 : i32
      %mul3A_554 = arith.muli %scan3A_164, %mul3A_553 : i32
      %swap3A = arith.index_cast %mul3A_554 : i32 to index
      %swap3A_555 = tpu.vector_load %arg10[%swap3A] {strides = array<i32>} : memref<512xf32, #tpu.memory_space<vmem>>, vector<16xf32>,
      tpu.vector_store %arg10[%swap3A], %add3A_552 {strides = array<i32>} : memref<512xf32, #tpu.memory_space<vmem>>, vector<16xf32>,
    }
    %scan3A_163 = arith.constant 32 : i32
    "tpu.region"() ({
      %run_scoped3A = tpu.sem_alloc : memref<!tpu.dma_semaphore, #tpu.memory_space<semaphore_mem>>
      %dma_start3A_164 = arith.constant 0 : i32
      %dma_start3A_165 = tpu.memref_slice %arg5[%add3A, %dma_start3A_164] : memref<32x512xf32, #tpu.memory_space<hbm>> -> memref<1x512xf32, #tpu.memory_space<hbm>>
      %dma_start3A_166 = tpu.memref_squeeze %dma_start3A_165 : memref<1x512xf32, #tpu.memory_space<hbm>> -> memref<512xf32, #tpu.memory_space<hbm>>
      %dma_start3A_167 = arith.constant 0 : i32
      %dma_start3A_168 = tpu.memref_slice %arg5[%add3A, %dma_start3A_167] : memref<32x512xf32, #tpu.memory_space<hbm>> -> memref<1x512xf32, #tpu.memory_space<hbm>>
      %dma_start3A_169 = tpu.memref_squeeze %dma_start3A_168 : memref<1x512xf32, #tpu.memory_space<hbm>> -> memref<512xf32, #tpu.memory_space<hbm>>
      tpu.enqueue_dma source(%arg10 : memref<512xf32, #tpu.memory_space<vmem>>) target(%dma_start3A_169 : memref<512xf32, #tpu.memory_space<hbm>>) target_semaphore(%run_scoped3A : memref<!tpu.dma_semaphore, #tpu.memory_space<semaphore_mem>>)
      %dma_wait3A_170 = arith.constant 0 : i32
      %dma_wait3A_171 = tpu.memref_slice %arg5[%add3A, %dma_wait3A_170] : memref<32x512xf32, #tpu.memory_space<hbm>> -> memref<1x512xf32, #tpu.memory_space<hbm>>
      %dma_wait3A_172 = tpu.memref_squeeze %dma_wait3A_171 : memref<1x512xf32, #tpu.memory_space<hbm>> -> memref<512xf32, #tpu.memory_space<hbm>>
      %dma_wait3A_173 = arith.constant 0 : i32
      %dma_wait3A_174 = tpu.memref_slice %arg5[%add3A, %dma_wait3A_173] : memref<32x512xf32, #tpu.memory_space<hbm>> -> memref<1x512xf32, #tpu.memory_space<hbm>>
      %dma_wait3A_175 = tpu.memref_squeeze %dma_wait3A_174 : memref<1x512xf32, #tpu.memory_space<hbm>> -> memref<512xf32, #tpu.memory_space<hbm>>
      tpu.wait_dma2 semaphore(%run_scoped3A : memref<!tpu.dma_semaphore, #tpu.memory_space<semaphore_mem>>) src(%arg10 : memref<512xf32, #tpu.memory_space<vmem>>) dst(%dma_wait3A_175 : memref<512xf32, #tpu.memory_space<hbm>>)
      tpu.yield
    }) : () -> ()
    return
  }
}

</mosaic_0001>

<sc_bundles>
// kernel: _sc_sims.3.cloned.1.call-start
scs
__scs_entry_jumppad:
0x0: {  	(pc) =	sbr.rel $0x88, $3  }
0x1: {  	(tag) =	ssettag $0x0;
	lr =	simm.s32 $0x1  }
0x2: {  	[smem:$0x3F9E] =	sst lr;
	_ =	strace $0xD0000000  }
0x3: {  	_ = 	snop  }
0x4: {  	_ = 	snop  }
0x5: {  	_ = 	snop  }
0x6: {  	_ = 	snop  }
0x7: {  	_ = 	snop  }
__scs_overlays_trampoline_lowered:
0x8: {  	[smem:$0x3FAD] =	sst s0  }
0x9: {  	[smem:$0x3FAE] =	sst s1  }
0xa: {  	[smem:$0x3FAF] =	sst s2  }
0xb: {  	[smem:$0x3FB0] =	sst s3  }
0xc: {  	[smem:$0x3FB1] =	sst s4  }
0xd: {  	[smem:$0x3FB2] =	sst s5  }
0xe: {  	[smem:$0x3FB3] =	sst s6  }
0xf: {  	[smem:$0x3FB4] =	sst s7  }
0x10: {  	[smem:$0x3FB5] =	sst s8  }
0x11: {  	[smem:$0x3FB6] =	sst s9;
	s0 =	simm.s32 @!p0 $0x0  }
0x12: {  	s1 =	sld [smem:$0x3F9C];
	s0 =	simm.s32 @p0 $0x1  }
0x13: {  	[smem:$0x3FB7] =	sst s0;
	s0 =	simm.s32 @!p1 $0x0  }
0x14: {  	s2 =	sld [smem:$0x3F9B];
	s0 =	simm.s32 @p1 $0x1  }
0x15: {  	[smem:$0x3FB8] =	sst s0;
	s0 =	simm.s32 @!p2 $0x0  }
0x16: {  	s3 =	sld [smem:$0x3FDB];
	s0 =	simm.s32 @p2 $0x1  }
0x17: {  	s4 =	simm.s32 $0x1BF5;
	[smem:$0x3FBA] =	sst s0  }
0x18: {  	s0 =	sld [smem:$0x3F9D];
	_ =	swait.ge [sflag:s4], $0x0  }
0x19: {  	s7 =	sld [smem:$0x3F9E]  }
0x1a: {  	s8 =	sadd.s32 $0xFFFFE003, lr  }
0x1b: {  	s9 =	sadd.s32 $0xFFFFFEF7, lr;
	s5 =	simm.s32 $0xFFFFFFFF;
	p2 =	slt.u32 s8, $0xFFFFF086  }
0x1c: {  	p1 =	slt.u32 s9, $0xF7A;
	s5 =	simm.s32 @!p2 $0x0  }
0x1d: {  	s5 =	simm.s32 @p1 $0x1;
	p0 =	seq.s32 s7, s2  }
0x1e: {  	s7 =	smul.u32 @!p0 $0xF7A, s2;
	p2 =	seq.s32 @!p0 s5, $0x0  }
0x1f: {  	s9 =	smul.u32 $0xF7A, s1;
	s8 =	simm.s32 @!p0 $0x1BF5;
	p2 =	por !p2, p0  }
0x20: {  	[sflag:s8] =	ssyncset.s32 @!p0 $0xFFFFF086;
	s6 =	sadd.s32 @!p0 s3, s7;
	s7 =	simm.s32 @!p0 $0x108  }
0x21: {  	s3 =	sadd.s32 s3, s9;
	s6 =	sadd.s32 @!p0 $0x88, s6;
	s7 =	simm.s32 @p2 $0x1082  }
0x22: {  	[simem:s7], [sflag:s8] =	dma.local @!p0 [hbm:s6], $0xF7A  }
0x23: {  	s9 =	sor.u32 $0xD0000000, s2;
	s6 =	simm.s32 $0x108;
	_ =	swait.ge @!p0 [sflag:s8], $0x0  }
0x24: {  	s3 =	sadd.s32 $0x88, s3;
	s6 =	simm.s32 @!p1 $0x1082;
	[sflag:s4] =	ssyncset.s32 $0xFFFFF086  }
0x25: {  	[simem:s6], [sflag:s4] =	dma.local [hbm:s3], $0xF7A  }
0x26: {  	[smem:$0x3F9E] =	sst s1;
	(tag) =	ssettag s2;
	_ =	strace s9  }
0x27: {  	s1 =	sld [smem:$0x3FAE]  }
0x28: {  	s2 =	sld [smem:$0x3FAF]  }
0x29: {  	s4 =	sld [smem:$0x3FB1]  }
0x2a: {  	p0 =	seq.s32 s5, $0x0;
	s5 =	sld [smem:$0x3FB2]  }
0x2b: {  	s6 =	sld [smem:$0x3FB3]  }
0x2c: {  	s7 =	sld [smem:$0x3FB4]  }
0x2d: {  	s3 =	simm.s32 $0x108;
	s8 =	sld [smem:$0x3FB5]  }
0x2e: {  	s3 =	simm.s32 @!p0 $0x1082;
	s9 =	sld [smem:$0x3FB6]  }
0x2f: {  	lr =	sadd.s32 s0, s3;
	s0 =	sld [smem:$0x3FAD]  }
0x30: {  	s3 =	sld [smem:$0x3FB0]  }
0x31: {  	[smem:$0x3FB9] =	sst s10  }
0x32: {  	s10 =	sld [smem:$0x3FB7];
	_ =	sdelay $0x3  }
0x33: {  	p0 =	seq.s32 s10, $0x1;
	s10 =	sld [smem:$0x3FB9];
	_ =	sdelay $0x3  }
0x34: {  	[smem:$0x3FB9] =	sst s10  }
0x35: {  	s10 =	sld [smem:$0x3FB8];
	_ =	sdelay $0x3  }
0x36: {  	p1 =	seq.s32 s10, $0x1;
	s10 =	sld [smem:$0x3FB9];
	_ =	sdelay $0x3  }
0x37: {  	[smem:$0x3FB9] =	sst s10  }
0x38: {  	s10 =	sld [smem:$0x3FBA]  }
0x39: {  	_ = 	snop;
	(pc) =	sbr.ind lr, $3  }
0x3a: {  	_ = 	snop  }
0x3b: {  	_ = 	snop  }
0x3c: {  	p2 =	seq.s32 s10, $0x1;
	s10 =	sld [smem:$0x3FB9]  }
0x3d: {  	_ =	shalt  }
0x3e: {  	_ =	shalt  }
0x3f: {  	_ =	shalt  }
0x40: {  	_ =	shalt  }
0x41: {  	_ =	shalt  }
0x42: {  	_ =	shalt  }
0x43: {  	_ =	shalt  }
0x44: {  	_ =	shalt  }
0x45: {  	_ =	shalt  }
0x46: {  	_ =	shalt  }
0x47: {  	_ =	shalt  }
0x48: {  	_ =	shalt  }
0x49: {  	_ =	shalt  }
0x4a: {  	_ =	shalt  }
0x4b: {  	_ =	shalt  }
0x4c: {  	_ =	shalt  }
0x4d: {  	_ =	shalt  }
0x4e: {  	_ =	shalt  }
0x4f: {  	_ =	shalt  }
0x50: {  	_ =	shalt  }
0x51: {  	_ =	shalt  }
0x52: {  	_ =	shalt  }
0x53: {  	_ =	shalt  }
0x54: {  	_ =	shalt  }
0x55: {  	_ =	shalt  }
0x56: {  	_ =	shalt  }
0x57: {  	_ =	shalt  }
0x58: {  	_ =	shalt  }
0x59: {  	_ =	shalt  }
0x5a: {  	_ =	shalt  }
0x5b: {  	_ =	shalt  }
0x5c: {  	_ =	shalt  }
0x5d: {  	_ =	shalt  }
0x5e: {  	_ =	shalt  }
0x5f: {  	_ =	shalt  }
0x60: {  	_ =	shalt  }
0x61: {  	_ =	shalt  }
0x62: {  	_ =	shalt  }
0x63: {  	_ =	shalt  }
0x64: {  	_ =	shalt  }
0x65: {  	_ =	shalt  }
0x66: {  	_ =	shalt  }
0x67: {  	_ =	shalt  }
0x68: {  	_ =	shalt  }
0x69: {  	_ =	shalt  }
0x6a: {  	_ =	shalt  }
0x6b: {  	_ =	shalt  }
0x6c: {  	_ =	shalt  }
0x6d: {  	_ =	shalt  }
0x6e: {  	_ =	shalt  }
0x6f: {  	_ =	shalt  }
0x70: {  	_ =	shalt  }
0x71: {  	_ =	shalt  }
0x72: {  	_ =	shalt  }
0x73: {  	_ =	shalt  }
0x74: {  	_ =	shalt  }
0x75: {  	_ =	shalt  }
0x76: {  	_ =	shalt  }
0x77: {  	_ =	shalt  }
0x78: {  	_ =	shalt  }
0x79: {  	_ =	shalt  }
0x7a: {  	_ =	shalt  }
0x7b: {  	_ =	shalt  }
0x7c: {  	_ =	shalt  }
0x7d: {  	_ =	shalt  }
0x7e: {  	_ =	shalt  }
0x7f: {  	_ =	shalt  }
0x80: {  	_ =	shalt  }
0x81: {  	_ =	shalt  }
0x82: {  	_ =	shalt  }
0x83: {  	_ =	shalt  }
0x84: {  	_ =	shalt  }
0x85: {  	_ =	shalt  }
0x86: {  	_ =	shalt  }
0x87: {  	_ =	shalt  }
.Lfunc_end0:
.L_simem_size_0:
called_computation_lowered:
.L_overlay_start_0:
0x88: {  	s2 =	sld [smem:$0x3FD9]  }
0x89: {  	s3 =	sld [smem:$0x3FFE];
	_ =	sdelay $0x1  }
0x8a: {  	s1 =	srdreg.scid  }
0x8b: {  	s0 =	sand.u32 $0x1, s1  }
0x8c: {  	s17 =	sshll.u32 s0, $0xA;
	s2 =	sadd.s32 s3, s2  }
0x8d: {  	s2 =	sadd.s32 s2, s17  }
0x8e: {  	[smem:$0x3FC5] =	sst s2  }
0x8f: {  	_ = 	snop  }
0x90: {  	s2 =	sld [smem:$0x3FC8]  }
0x91: {  	s18 =	sld [smem:$0x3FC7];
	(tm) =	ssettm $0x1  }
0x92: {  	s4 =	sld [smem:$0x3FFB];
	_ =	sdelay $0x3  }
0x93: {  	_ =	strace s4  }
0x94: {  	s4 =	sld [smem:$0x3FFC];
	_ =	sdelay $0x3  }
0x95: {  	_ =	strace s4  }
0x96: {  	s4 =	sld [smem:$0x3FFD];
	_ =	sdelay $0x3  }
0x97: {  	_ =	strace s4  }
0x98: {  	_ =	strace $0x8FFFFFFF  }
0x99: {  	s19 =	sld [smem:$0x3FDB];
	_ =	sdelay $0x1  }
0x9a: {  	s5 =	simm.s32 $_scs_section_size  }
0x9b: {  	s6 =	simm.s32 $_size__tile_overlayer_lowered;
	s7 =	simm.s32 $_tile_overlayer_lowered  }
0x9c: {  	s22 =	simm.s32 $0x1BFF;
	s21 =	sshll.u32 s7, $0x1;
	s4 =	sadd.s32 s5, s19  }
0x9d: {  	s8 =	simm.s32 $0x0;
	s20 =	sshll.u32 s6, $0x1;
	s6 =	sadd.s32 s21, s4  }
0x9e: {  	[timem:s8], [sflag:s22] =	dma.local [hbm:s6], s20  }
0x9f: {  	_ =	swait.ge [sflag:s22], s20  }
0xa0: {  	s5 =	ssub.s32 $0x0, s20;
	[sflag:s22] =	ssyncset.done $0x0  }
0xa1: {  	[sflag:s22] =	ssyncadd.s32 s5;
	_ =	sdelay $0x1  }
0xa2: {  	s23 =	simm.s32 $0x1B8B  }
0xa3: {  	_ =	swait.ge [sflag:s23], $0x1  }
0xa4: {  	[sflag:s23] =	ssyncset.done $0x0  }
0xa5: {  	s25 =	simm.s32 $0x1B8E;
	s24 =	sld [smem:$0x3FFE];
	[sflag:s23] =	ssyncadd.s32 $0xFFFFFFFF  }
0xa6: {  	s26 =	simm.s32 $execute0_lowered;
	[smem:$0x3FD2] =	sst s25  }
0xa7: {  	s6 =	sshll.u32 s26, $0x1;
	_ =	strace $0x80000046;
	[dreg:$0x1] =	wrdreg $0xFFFFFFFF  }
0xa8: {  	s28 =	simm.s32 $_size_execute0_lowered;
	s4 =	sadd.s32 s4, s6;
	[dreg:$0x0] =	wrdreg $0x0  }
0xa9: {  	s6 =	sshll.u32 s28, $0x1;
	[dreg:$0x2] =	wrdreg s4  }
0xaa: {  	[dreg:$0x3] =	wrdreg s6  }
0xab: {  	[dreg:$0x4] =	wrdreg $0xC0  }
0xac: {  	_ =	task [dreg:s8], $0x5FFFF  }
0xad: {  	[dreg:$0x1] =	wrdreg $0xFFFFFFFF  }
0xae: {  	[dreg:$0x0] =	wrdreg $0x60  }
0xaf: {  	[dreg:$0x2] =	wrdreg s24  }
0xb0: {  	[dreg:$0x3] =	wrdreg s2  }
0xb1: {  	[dreg:$0x4] =	wrdreg s18  }
0xb2: {  	[dreg:$0x5] =	wrdreg $0x9  }
0xb3: {  	_ =	task.clear_ibuf [dreg:s8], $0x6FFFF;
	_ =	strace $0x90000046  }
0xb4: {  	s29 =	simm.s32 $0x9;
	_ =	strace $0x80000048  }
0xb5: {  	_ =	swait.ge [sflag:s29], $0x1  }
0xb6: {  	[sflag:s29] =	ssyncadd.s32 $0xFFFFFFFF  }
0xb7: {  	_ =	strace $0x90000048  }
0xb8: {  	_ =	sfence  }
0xb9: {  	s30 =	sld [smem:$0x0];
	_ =	sdelay $0x2  }
0xba: {  	s31 =	sshll.u32 s1, $0xD;
	s1 =	sshrl.u32 s1, $0x2  }
0xbb: {  	s3 =	sand.u32 $0x4000, s31;
	s1 =	sadd.s32 s1, s30  }
0xbc: {  	s0 =	sor.u32 s3, s0;
	s1 =	sshll.u32 s1, $0x11  }
0xbd: {  	s0 =	sor.u32 s1, s0  }
0xbe: {  	s0 =	sadd.s32 $0x8F2B, s0  }
0xbf: {  	[sflag:s0] =	ssyncadd.remote.s32 $0x1  }
0xc0: {  	_ =	sfence.sel $0xFFFF  }
0xc1: {  	[dreg:$0x0] =	wrdreg $0xFFFFFFFF;
	(pc) =	sbr.abs _section_cstart, $3  }
0xc2: {  	[dreg:$0x1] =	wrdreg $0xFFFFFFFF  }
0xc3: {  	_ =	task.clear_ibuf [dreg:s8], $0x2FFFF;
	_ =	strace $0x9FFFFFFF  }
0xc4: {  	(tm) =	ssettm $0x7FFFFFFF  }
0xc5: {  	_ =	shalt  }
tec
execute0_lowered:
.L_overlay_start_1:
0x0: {  	(tag) =	ssettag $0x1  }
0x1: {  	s4 =	rddreg [dreg:$0x0]  }
0x2: {  	s5 =	rddreg [dreg:$0x1]  }
0x3: {  	s6 =	rddreg [dreg:$0x2]  }
0x4: {  	s0 =	rddreg [dreg:$0x3];
	s3 =	srdreg.scid  }
0x5: {  	s2 =	simm.s32 $0x0;
	s1 =	stileid.u32;
	s10 =	simm.s32 $0x80  }
0x6: {  	s11 =	simm.s32 $0x400;
	s12 =	simm.s32 $0x8400;
	s13 =	simm.s32 $0x2400  }
0x7: {  	s14 =	simm.s32 $0x280;
	s15 =	simm.s32 $0xA400;
	s16 =	simm.s32 $0x100  }
0x8: {  	s17 =	simm.s32 $0x4400;
	s18 =	simm.s32 $0x300;
	s19 =	simm.s32 $0xC400  }
0x9: {  	s20 =	simm.s32 $0x180;
	s21 =	simm.s32 $0x6400;
	s22 =	simm.s32 $0x380  }
0xa: {  	s23 =	simm.s32 $0xE400;
	s24 =	simm.s32 $0x1;
	s25 =	simm.s32 $0x10400  }
0xb: {  	s26 =	simm.s32 $0x0;
	s3 =	sand.u32 $0x1, s3;
	[smem:$0x7FF] =	sst s2  }
0xc: {  	s7 =	sshll.u32 s1, $0x7;
	s8 =	sshll.u32 s3, $0x6;
	s30 =	ssub.s32 $0x2, s3  }
0xd: {  	_ =	strace $0x80000047;
	s7 =	sor.u32 s8, s7;
	s31 =	sshrl.u32 s30, $0x1  }
0xe: {  	v0 =	vlaneseq.u32;
	s3 =	sadd.s32 $0xF42800, s4;
	s9 =	sadd.s32 s7, s4;
	s8 =	ssub.s32 s30, s31  }
0xf: {  	v0 =	vmul.u32 $0x40, v0;
	s4 =	sadd.s32 s5, s7;
	s5 =	sadd.s32 s6, s7;
	s6 =	sadd.s32 $0x400, s9  }
0x10: {  	s7 =	smax.u32 s8, $0x1;
	s8 =	simm.s32 $0x2;
	s9 =	simm.s32 $0x200  }
.LBB2_1:
0x11: {  	[tilespmem:s2], [sflag:$0x2] =	stream.linear.gather [hbm4b:s4+s2], $0x200, $0x38;
	[tilespmem:$0x10600] =	vst v63  }
0x12: {  	_ =	swait.ge [sflag:s8], $0x200  }
0x13: {  	[sflag:s8] =	ssyncset.done $0x0  }
0x14: {  	[sflag:s8] =	ssyncadd.s32 $0xFFFFFE00  }
0x15: {  	[tilespmem:s9], [sflag:$0x2] =	stream.linear.gather [hbm4b:s5+s2], $0x200, $0x38;
	[tilespmem:$0x10600] =	vst v63  }
0x16: {  	_ =	swait.ge [sflag:s8], $0x200  }
0x17: {  	[sflag:s8] =	ssyncset.done $0x0  }
0x18: {  	[sflag:s8] =	ssyncadd.s32 $0xFFFFFE00  }
0x19: {  	[tilespmem:s11], [sflag:$0x1] =	stream.indirect.gather [hbm4b:s3+s10], $0x40, s2, s10, $0xb8;
	[tilespmem:$0x10600] =	vst v63  }
0x1a: {  	_ = 	snop  }
0x1b: {  	[tilespmem:s12], [sflag:$0x1] =	stream.indirect.gather [hbm4b:s3+s10], $0x40, s9, s10, $0xb8;
	[tilespmem:$0x10600] =	vst v63  }
0x1c: {  	_ = 	snop  }
0x1d: {  	[tilespmem:s13], [sflag:$0x1] =	stream.indirect.gather [hbm4b:s3+s10], $0x40, s10, s10, $0xb8;
	[tilespmem:$0x10600] =	vst v63  }
0x1e: {  	_ = 	snop  }
0x1f: {  	[tilespmem:s15], [sflag:$0x1] =	stream.indirect.gather [hbm4b:s3+s10], $0x40, s14, s10, $0xb8;
	[tilespmem:$0x10600] =	vst v63  }
0x20: {  	_ = 	snop  }
0x21: {  	[tilespmem:s17], [sflag:$0x1] =	stream.indirect.gather [hbm4b:s3+s10], $0x40, s16, s10, $0xb8;
	[tilespmem:$0x10600] =	vst v63  }
0x22: {  	_ = 	snop  }
0x23: {  	[tilespmem:s19], [sflag:$0x1] =	stream.indirect.gather [hbm4b:s3+s10], $0x40, s18, s10, $0xb8;
	[tilespmem:$0x10600] =	vst v63  }
0x24: {  	_ = 	snop  }
0x25: {  	[tilespmem:s21], [sflag:$0x1] =	stream.indirect.gather [hbm4b:s3+s10], $0x40, s20, s10, $0xb8;
	[tilespmem:$0x10600] =	vst v63  }
0x26: {  	_ = 	snop  }
0x27: {  	[tilespmem:s23], [sflag:$0x1] =	stream.indirect.gather [hbm4b:s3+s10], $0x40, s22, s10, $0xb8;
	[tilespmem:$0x10600] =	vst v63  }
0x28: {  	_ =	swait.ge [sflag:s24], $0x2000  }
0x29: {  	[sflag:s24] =	ssyncset.done $0x0  }
0x2a: {  	[sflag:s24] =	ssyncadd.s32 $0xFFFFE000  }
0x2b: {  	_ =	swait.ge [sflag:s24], $0x2000  }
0x2c: {  	[sflag:s24] =	ssyncset.done $0x0  }
0x2d: {  	[sflag:s24] =	ssyncadd.s32 $0xFFFFE000  }
0x2e: {  	_ =	swait.ge [sflag:s24], $0x2000  }
0x2f: {  	[sflag:s24] =	ssyncset.done $0x0  }
0x30: {  	[sflag:s24] =	ssyncadd.s32 $0xFFFFE000  }
0x31: {  	_ =	swait.ge [sflag:s24], $0x2000  }
0x32: {  	[sflag:s24] =	ssyncset.done $0x0  }
0x33: {  	[sflag:s24] =	ssyncadd.s32 $0xFFFFE000  }
0x34: {  	_ =	swait.ge [sflag:s24], $0x2000  }
0x35: {  	[sflag:s24] =	ssyncset.done $0x0  }
0x36: {  	[sflag:s24] =	ssyncadd.s32 $0xFFFFE000  }
0x37: {  	_ =	swait.ge [sflag:s24], $0x2000  }
0x38: {  	[sflag:s24] =	ssyncset.done $0x0  }
0x39: {  	v1 =	vmov s2;
	[sflag:s24] =	ssyncadd.s32 $0xFFFFE000  }
0x3a: {  	v1 =	vshll.u32 v1, $0x6;
	_ =	swait.ge [sflag:s24], $0x2000  }
0x3b: {  	v1 =	vor.u32 v0, v1;
	[sflag:s24] =	ssyncset.done $0x0  }
0x3c: {  	[sflag:s24] =	ssyncadd.s32 $0xFFFFE000  }
0x3d: {  	v2 =	vor.u32 $0x1, v1;
	_ =	swait.ge [sflag:s24], $0x2000  }
0x3e: {  	[sflag:s24] =	ssyncset.done $0x0  }
0x3f: {  	v3 =	vor.u32 $0x2, v1;
	[sflag:s24] =	ssyncadd.s32 $0xFFFFE000  }
0x40: {  	v4 =	vld.idx.msk [tilespmem:v1+s12+$0x0], $0xffff  }
0x41: {  	v6 =	vor.u32 $0x3, v1;
	v5 =	vld.idx.msk [tilespmem:v1+s11+$0x0], $0xffff  }
0x42: {  	v7 =	vld.idx.msk [tilespmem:v2+s11+$0x0], $0xffff  }
0x43: {  	v8 =	vor.u32 $0x4, v1;
	v2 =	vld.idx.msk [tilespmem:v2+s12+$0x0], $0xffff  }
0x44: {  	v9 =	vld.idx.msk [tilespmem:v3+s11+$0x0], $0xffff  }
0x45: {  	v10 =	vor.u32 $0x5, v1;
	v3 =	vld.idx.msk [tilespmem:v3+s12+$0x0], $0xffff  }
0x46: {  	v11 =	vld.idx.msk [tilespmem:v6+s11+$0x0], $0xffff;
	v4 =	vmul.f32 v4, v5  }
0x47: {  	v5 =	vld.idx.msk [tilespmem:v6+s12+$0x0], $0xffff;
	v6 =	vor.u32 $0x6, v1  }
0x48: {  	v12 =	vld.idx.msk [tilespmem:v8+s11+$0x0], $0xffff;
	v2 =	vmul.f32 v2, v7;
	v4 =	vadd.f32 $0.0e+00, v4  }
0x49: {  	v61 =	vor.u32 $0x7, v1;
	v7 =	vld.idx.msk [tilespmem:v8+s12+$0x0], $0xffff  }
0x4a: {  	v13 =	vld.idx.msk [tilespmem:v10+s11+$0x0], $0xffff;
	v3 =	vmul.f32 v3, v9;
	v2 =	vadd.f32 v2, v4  }
0x4b: {  	v62 =	vor.u32 $0x8, v1;
	v4 =	vld.idx.msk [tilespmem:v10+s12+$0x0], $0xffff  }
0x4c: {  	v63 =	vld.idx.msk [tilespmem:v6+s11+$0x0], $0xffff;
	v2 =	vadd.f32 v3, v2;
	v3 =	vmul.f32 v5, v11  }
0x4d: {  	v5 =	vld.idx.msk [tilespmem:v6+s12+$0x0], $0xffff;
	v6 =	vor.u32 $0x9, v1  }
0x4e: {  	v16 =	vld.idx.msk [tilespmem:v61+s11+$0x0], $0xffff;
	v2 =	vadd.f32 v3, v2;
	v3 =	vmul.f32 v7, v12  }
0x4f: {  	v17 =	vor.u32 $0xA, v1;
	v7 =	vld.idx.msk [tilespmem:v61+s12+$0x0], $0xffff  }
0x50: {  	v18 =	vld.idx.msk [tilespmem:v62+s11+$0x0], $0xffff;
	v2 =	vadd.f32 v3, v2;
	v3 =	vmul.f32 v4, v13  }
0x51: {  	v19 =	vor.u32 $0xB, v1;
	v4 =	vld.idx.msk [tilespmem:v62+s12+$0x0], $0xffff  }
0x52: {  	v20 =	vld.idx.msk [tilespmem:v6+s11+$0x0], $0xffff;
	v2 =	vadd.f32 v3, v2;
	v3 =	vmul.f32 v5, v63  }
0x53: {  	v5 =	vld.idx.msk [tilespmem:v6+s12+$0x0], $0xffff;
	v6 =	vor.u32 $0xC, v1  }
0x54: {  	v21 =	vld.idx.msk [tilespmem:v17+s11+$0x0], $0xffff;
	v2 =	vadd.f32 v3, v2;
	v3 =	vmul.f32 v7, v16  }
0x55: {  	v22 =	vor.u32 $0xD, v1;
	v7 =	vld.idx.msk [tilespmem:v17+s12+$0x0], $0xffff  }
0x56: {  	v23 =	vld.idx.msk [tilespmem:v19+s11+$0x0], $0xffff;
	v2 =	vadd.f32 v3, v2;
	v3 =	vmul.f32 v4, v18  }
0x57: {  	v24 =	vor.u32 $0xE, v1;
	v4 =	vld.idx.msk [tilespmem:v19+s12+$0x0], $0xffff  }
0x58: {  	v25 =	vld.idx.msk [tilespmem:v6+s11+$0x0], $0xffff;
	v2 =	vadd.f32 v3, v2;
	v3 =	vmul.f32 v5, v20  }
0x59: {  	v5 =	vld.idx.msk [tilespmem:v6+s12+$0x0], $0xffff;
	v6 =	vor.u32 $0xF, v1  }
0x5a: {  	v26 =	vld.idx.msk [tilespmem:v22+s11+$0x0], $0xffff;
	v2 =	vadd.f32 v3, v2;
	v3 =	vmul.f32 v7, v21  }
0x5b: {  	v27 =	vor.u32 $0x10, v1;
	v7 =	vld.idx.msk [tilespmem:v22+s12+$0x0], $0xffff  }
0x5c: {  	v28 =	vld.idx.msk [tilespmem:v24+s11+$0x0], $0xffff;
	v2 =	vadd.f32 v3, v2;
	v3 =	vmul.f32 v4, v23  }
0x5d: {  	v29 =	vor.u32 $0x11, v1;
	v4 =	vld.idx.msk [tilespmem:v24+s12+$0x0], $0xffff  }
0x5e: {  	v30 =	vld.idx.msk [tilespmem:v6+s11+$0x0], $0xffff;
	v2 =	vadd.f32 v3, v2;
	v3 =	vmul.f32 v5, v25  }
0x5f: {  	v5 =	vld.idx.msk [tilespmem:v6+s12+$0x0], $0xffff;
	v6 =	vor.u32 $0x12, v1  }
0x60: {  	v31 =	vld.idx.msk [tilespmem:v27+s11+$0x0], $0xffff;
	v2 =	vadd.f32 v3, v2;
	v3 =	vmul.f32 v7, v26  }
0x61: {  	v32 =	vor.u32 $0x13, v1;
	v7 =	vld.idx.msk [tilespmem:v27+s12+$0x0], $0xffff  }
0x62: {  	v33 =	vld.idx.msk [tilespmem:v29+s11+$0x0], $0xffff;
	v2 =	vadd.f32 v3, v2;
	v3 =	vmul.f32 v4, v28  }
0x63: {  	v34 =	vor.u32 $0x14, v1;
	v4 =	vld.idx.msk [tilespmem:v29+s12+$0x0], $0xffff  }
0x64: {  	v35 =	vld.idx.msk [tilespmem:v6+s11+$0x0], $0xffff;
	v2 =	vadd.f32 v3, v2;
	v3 =	vmul.f32 v5, v30  }
0x65: {  	v5 =	vld.idx.msk [tilespmem:v6+s12+$0x0], $0xffff;
	v6 =	vor.u32 $0x15, v1  }
0x66: {  	v36 =	vld.idx.msk [tilespmem:v32+s11+$0x0], $0xffff;
	v2 =	vadd.f32 v3, v2;
	v3 =	vmul.f32 v7, v31  }
0x67: {  	v37 =	vor.u32 $0x16, v1;
	v7 =	vld.idx.msk [tilespmem:v32+s12+$0x0], $0xffff  }
0x68: {  	v38 =	vld.idx.msk [tilespmem:v34+s11+$0x0], $0xffff;
	v2 =	vadd.f32 v3, v2;
	v3 =	vmul.f32 v4, v33  }
0x69: {  	v39 =	vor.u32 $0x17, v1;
	v4 =	vld.idx.msk [tilespmem:v34+s12+$0x0], $0xffff  }
0x6a: {  	v40 =	vld.idx.msk [tilespmem:v6+s11+$0x0], $0xffff;
	v2 =	vadd.f32 v3, v2;
	v3 =	vmul.f32 v5, v35  }
0x6b: {  	v5 =	vld.idx.msk [tilespmem:v6+s12+$0x0], $0xffff;
	v6 =	vor.u32 $0x18, v1  }
0x6c: {  	v41 =	vld.idx.msk [tilespmem:v37+s11+$0x0], $0xffff;
	v2 =	vadd.f32 v3, v2;
	v3 =	vmul.f32 v7, v36  }
0x6d: {  	v42 =	vor.u32 $0x19, v1;
	v7 =	vld.idx.msk [tilespmem:v37+s12+$0x0], $0xffff  }
0x6e: {  	v43 =	vld.idx.msk [tilespmem:v39+s11+$0x0], $0xffff;
	v2 =	vadd.f32 v3, v2;
	v3 =	vmul.f32 v4, v38  }
0x6f: {  	v44 =	vor.u32 $0x1A, v1;
	v4 =	vld.idx.msk [tilespmem:v39+s12+$0x0], $0xffff  }
0x70: {  	v45 =	vld.idx.msk [tilespmem:v6+s11+$0x0], $0xffff;
	v2 =	vadd.f32 v3, v2;
	v3 =	vmul.f32 v5, v40  }
0x71: {  	v5 =	vld.idx.msk [tilespmem:v6+s12+$0x0], $0xffff;
	v6 =	vor.u32 $0x1B, v1  }
0x72: {  	v46 =	vld.idx.msk [tilespmem:v42+s11+$0x0], $0xffff;
	v2 =	vadd.f32 v3, v2;
	v3 =	vmul.f32 v7, v41  }
0x73: {  	v47 =	vor.u32 $0x1C, v1;
	v7 =	vld.idx.msk [tilespmem:v42+s12+$0x0], $0xffff  }
0x74: {  	v48 =	vld.idx.msk [tilespmem:v44+s11+$0x0], $0xffff;
	v2 =	vadd.f32 v3, v2;
	v3 =	vmul.f32 v4, v43  }
0x75: {  	v49 =	vor.u32 $0x1D, v1;
	v4 =	vld.idx.msk [tilespmem:v44+s12+$0x0], $0xffff  }
0x76: {  	v50 =	vld.idx.msk [tilespmem:v6+s11+$0x0], $0xffff;
	v2 =	vadd.f32 v3, v2;
	v3 =	vmul.f32 v5, v45  }
0x77: {  	v5 =	vld.idx.msk [tilespmem:v6+s12+$0x0], $0xffff;
	v6 =	vor.u32 $0x1E, v1  }
0x78: {  	v51 =	vld.idx.msk [tilespmem:v47+s11+$0x0], $0xffff;
	v2 =	vadd.f32 v3, v2;
	v3 =	vmul.f32 v7, v46  }
0x79: {  	v52 =	vor.u32 $0x1F, v1;
	v7 =	vld.idx.msk [tilespmem:v47+s12+$0x0], $0xffff  }
0x7a: {  	v53 =	vld.idx.msk [tilespmem:v49+s11+$0x0], $0xffff;
	v2 =	vadd.f32 v3, v2;
	v3 =	vmul.f32 v4, v48  }
0x7b: {  	v54 =	vor.u32 $0x20, v1;
	v4 =	vld.idx.msk [tilespmem:v49+s12+$0x0], $0xffff  }
0x7c: {  	v55 =	vld.idx.msk [tilespmem:v6+s11+$0x0], $0xffff;
	v2 =	vadd.f32 v3, v2;
	v3 =	vmul.f32 v5, v50  }
0x7d: {  	v5 =	vld.idx.msk [tilespmem:v6+s12+$0x0], $0xffff;
	v6 =	vor.u32 $0x21, v1  }
0x7e: {  	v56 =	vld.idx.msk [tilespmem:v52+s11+$0x0], $0xffff;
	v2 =	vadd.f32 v3, v2;
	v3 =	vmul.f32 v7, v51  }
0x7f: {  	v57 =	vor.u32 $0x22, v1;
	v7 =	vld.idx.msk [tilespmem:v52+s12+$0x0], $0xffff  }
0x80: {  	v58 =	vld.idx.msk [tilespmem:v54+s11+$0x0], $0xffff;
	v2 =	vadd.f32 v3, v2;
	v3 =	vmul.f32 v4, v53  }
0x81: {  	v59 =	vor.u32 $0x23, v1;
	v4 =	vld.idx.msk [tilespmem:v54+s12+$0x0], $0xffff  }
0x82: {  	v60 =	vld.idx.msk [tilespmem:v6+s11+$0x0], $0xffff;
	v2 =	vadd.f32 v3, v2;
	v3 =	vmul.f32 v5, v55  }
0x83: {  	v5 =	vld.idx.msk [tilespmem:v6+s12+$0x0], $0xffff;
	v6 =	vor.u32 $0x24, v1  }
0x84: {  	v61 =	vld.idx.msk [tilespmem:v57+s11+$0x0], $0xffff;
	v2 =	vadd.f32 v3, v2;
	v3 =	vmul.f32 v7, v56  }
0x85: {  	v62 =	vor.u32 $0x25, v1;
	v7 =	vld.idx.msk [tilespmem:v57+s12+$0x0], $0xffff  }
0x86: {  	v63 =	vld.idx.msk [tilespmem:v59+s11+$0x0], $0xffff;
	v2 =	vadd.f32 v3, v2;
	v3 =	vmul.f32 v4, v58  }
0x87: {  	v16 =	vor.u32 $0x26, v1;
	v4 =	vld.idx.msk [tilespmem:v59+s12+$0x0], $0xffff  }
0x88: {  	v17 =	vld.idx.msk [tilespmem:v6+s11+$0x0], $0xffff;
	v2 =	vadd.f32 v3, v2;
	v3 =	vmul.f32 v5, v60  }
0x89: {  	v5 =	vld.idx.msk [tilespmem:v6+s12+$0x0], $0xffff;
	v6 =	vor.u32 $0x27, v1  }
0x8a: {  	v18 =	vld.idx.msk [tilespmem:v62+s11+$0x0], $0xffff;
	v2 =	vadd.f32 v3, v2;
	v3 =	vmul.f32 v7, v61  }
0x8b: {  	v19 =	vor.u32 $0x28, v1;
	v7 =	vld.idx.msk [tilespmem:v62+s12+$0x0], $0xffff  }
0x8c: {  	v20 =	vld.idx.msk [tilespmem:v16+s11+$0x0], $0xffff;
	v2 =	vadd.f32 v3, v2;
	v3 =	vmul.f32 v4, v63  }
0x8d: {  	v21 =	vor.u32 $0x29, v1;
	v4 =	vld.idx.msk [tilespmem:v16+s12+$0x0], $0xffff  }
0x8e: {  	v22 =	vld.idx.msk [tilespmem:v6+s11+$0x0], $0xffff;
	v2 =	vadd.f32 v3, v2;
	v3 =	vmul.f32 v5, v17  }
0x8f: {  	v5 =	vld.idx.msk [tilespmem:v6+s12+$0x0], $0xffff;
	v6 =	vor.u32 $0x2A, v1  }
0x90: {  	v23 =	vld.idx.msk [tilespmem:v19+s11+$0x0], $0xffff;
	v2 =	vadd.f32 v3, v2;
	v3 =	vmul.f32 v7, v18  }
0x91: {  	v24 =	vor.u32 $0x2B, v1;
	v7 =	vld.idx.msk [tilespmem:v19+s12+$0x0], $0xffff  }
0x92: {  	v25 =	vld.idx.msk [tilespmem:v21+s11+$0x0], $0xffff;
	v2 =	vadd.f32 v3, v2;
	v3 =	vmul.f32 v4, v20  }
0x93: {  	v26 =	vor.u32 $0x2C, v1;
	v4 =	vld.idx.msk [tilespmem:v21+s12+$0x0], $0xffff  }
0x94: {  	v27 =	vld.idx.msk [tilespmem:v6+s11+$0x0], $0xffff;
	v2 =	vadd.f32 v3, v2;
	v3 =	vmul.f32 v5, v22  }
0x95: {  	v5 =	vld.idx.msk [tilespmem:v6+s12+$0x0], $0xffff;
	v6 =	vor.u32 $0x2D, v1  }
0x96: {  	v28 =	vld.idx.msk [tilespmem:v24+s11+$0x0], $0xffff;
	v2 =	vadd.f32 v3, v2;
	v3 =	vmul.f32 v7, v23  }
0x97: {  	v29 =	vor.u32 $0x2E, v1;
	v7 =	vld.idx.msk [tilespmem:v24+s12+$0x0], $0xffff  }
0x98: {  	v30 =	vld.idx.msk [tilespmem:v26+s11+$0x0], $0xffff;
	v2 =	vadd.f32 v3, v2;
	v3 =	vmul.f32 v4, v25  }
0x99: {  	v31 =	vor.u32 $0x2F, v1;
	v4 =	vld.idx.msk [tilespmem:v26+s12+$0x0], $0xffff  }
0x9a: {  	v32 =	vld.idx.msk [tilespmem:v6+s11+$0x0], $0xffff;
	v2 =	vadd.f32 v3, v2;
	v3 =	vmul.f32 v5, v27  }
0x9b: {  	v5 =	vld.idx.msk [tilespmem:v6+s12+$0x0], $0xffff;
	v6 =	vor.u32 $0x30, v1  }
0x9c: {  	v33 =	vld.idx.msk [tilespmem:v29+s11+$0x0], $0xffff;
	v2 =	vadd.f32 v3, v2;
	v3 =	vmul.f32 v7, v28  }
0x9d: {  	v34 =	vor.u32 $0x31, v1;
	v7 =	vld.idx.msk [tilespmem:v29+s12+$0x0], $0xffff  }
0x9e: {  	v35 =	vld.idx.msk [tilespmem:v31+s11+$0x0], $0xffff;
	v2 =	vadd.f32 v3, v2;
	v3 =	vmul.f32 v4, v30  }
0x9f: {  	v36 =	vor.u32 $0x32, v1;
	v4 =	vld.idx.msk [tilespmem:v31+s12+$0x0], $0xffff  }
0xa0: {  	v37 =	vld.idx.msk [tilespmem:v6+s11+$0x0], $0xffff;
	v2 =	vadd.f32 v3, v2;
	v3 =	vmul.f32 v5, v32  }
0xa1: {  	v5 =	vld.idx.msk [tilespmem:v6+s12+$0x0], $0xffff;
	v6 =	vor.u32 $0x33, v1  }
0xa2: {  	v38 =	vld.idx.msk [tilespmem:v34+s11+$0x0], $0xffff;
	v2 =	vadd.f32 v3, v2;
	v3 =	vmul.f32 v7, v33  }
0xa3: {  	v39 =	vor.u32 $0x34, v1;
	v7 =	vld.idx.msk [tilespmem:v34+s12+$0x0], $0xffff  }
0xa4: {  	v40 =	vld.idx.msk [tilespmem:v36+s11+$0x0], $0xffff;
	v2 =	vadd.f32 v3, v2;
	v3 =	vmul.f32 v4, v35  }
0xa5: {  	v41 =	vor.u32 $0x35, v1;
	v4 =	vld.idx.msk [tilespmem:v36+s12+$0x0], $0xffff  }
0xa6: {  	v42 =	vld.idx.msk [tilespmem:v6+s11+$0x0], $0xffff;
	v2 =	vadd.f32 v3, v2;
	v3 =	vmul.f32 v5, v37  }
0xa7: {  	v5 =	vld.idx.msk [tilespmem:v6+s12+$0x0], $0xffff;
	v6 =	vor.u32 $0x36, v1  }
0xa8: {  	v43 =	vld.idx.msk [tilespmem:v39+s11+$0x0], $0xffff;
	v2 =	vadd.f32 v3, v2;
	v3 =	vmul.f32 v7, v38  }
0xa9: {  	v44 =	vor.u32 $0x37, v1;
	v7 =	vld.idx.msk [tilespmem:v39+s12+$0x0], $0xffff  }
0xaa: {  	v45 =	vld.idx.msk [tilespmem:v41+s11+$0x0], $0xffff;
	v2 =	vadd.f32 v3, v2;
	v3 =	vmul.f32 v4, v40  }
0xab: {  	v46 =	vor.u32 $0x38, v1;
	v4 =	vld.idx.msk [tilespmem:v41+s12+$0x0], $0xffff  }
0xac: {  	v47 =	vld.idx.msk [tilespmem:v6+s11+$0x0], $0xffff;
	v2 =	vadd.f32 v3, v2;
	v3 =	vmul.f32 v5, v42  }
0xad: {  	v5 =	vld.idx.msk [tilespmem:v6+s12+$0x0], $0xffff;
	v6 =	vor.u32 $0x39, v1  }
0xae: {  	v48 =	vld.idx.msk [tilespmem:v44+s11+$0x0], $0xffff;
	v2 =	vadd.f32 v3, v2;
	v3 =	vmul.f32 v7, v43  }
0xaf: {  	v49 =	vor.u32 $0x3A, v1;
	v7 =	vld.idx.msk [tilespmem:v44+s12+$0x0], $0xffff  }
0xb0: {  	v50 =	vld.idx.msk [tilespmem:v46+s11+$0x0], $0xffff;
	v2 =	vadd.f32 v3, v2;
	v3 =	vmul.f32 v4, v45  }
0xb1: {  	v51 =	vor.u32 $0x3B, v1;
	v4 =	vld.idx.msk [tilespmem:v46+s12+$0x0], $0xffff  }
0xb2: {  	v52 =	vld.idx.msk [tilespmem:v6+s11+$0x0], $0xffff;
	v2 =	vadd.f32 v3, v2;
	v3 =	vmul.f32 v5, v47  }
0xb3: {  	v5 =	vld.idx.msk [tilespmem:v6+s12+$0x0], $0xffff;
	v6 =	vor.u32 $0x3C, v1  }
0xb4: {  	v53 =	vld.idx.msk [tilespmem:v49+s11+$0x0], $0xffff;
	v2 =	vadd.f32 v3, v2;
	v3 =	vmul.f32 v7, v48  }
0xb5: {  	v54 =	vor.u32 $0x3D, v1;
	v7 =	vld.idx.msk [tilespmem:v49+s12+$0x0], $0xffff  }
0xb6: {  	v55 =	vld.idx.msk [tilespmem:v51+s11+$0x0], $0xffff;
	v2 =	vadd.f32 v3, v2;
	v3 =	vmul.f32 v4, v50  }
0xb7: {  	v56 =	vor.u32 $0x3E, v1;
	v4 =	vld.idx.msk [tilespmem:v51+s12+$0x0], $0xffff  }
0xb8: {  	v57 =	vld.idx.msk [tilespmem:v6+s11+$0x0], $0xffff;
	v2 =	vadd.f32 v3, v2;
	v3 =	vmul.f32 v5, v52  }
0xb9: {  	v1 =	vor.u32 $0x3F, v1;
	v5 =	vld.idx.msk [tilespmem:v6+s12+$0x0], $0xffff  }
0xba: {  	v6 =	vld.idx.msk [tilespmem:v54+s11+$0x0], $0xffff;
	v2 =	vadd.f32 v3, v2;
	v3 =	vmul.f32 v7, v53  }
0xbb: {  	v7 =	vld.idx.msk [tilespmem:v54+s12+$0x0], $0xffff  }
0xbc: {  	v58 =	vld.idx.msk [tilespmem:v56+s11+$0x0], $0xffff;
	v2 =	vadd.f32 v3, v2;
	v3 =	vmul.f32 v4, v55  }
0xbd: {  	v4 =	vld.idx.msk [tilespmem:v56+s12+$0x0], $0xffff  }
0xbe: {  	v59 =	vld.idx.msk [tilespmem:v1+s11+$0x0], $0xffff;
	v2 =	vadd.f32 v3, v2;
	v3 =	vmul.f32 v5, v57  }
0xbf: {  	v5 =	vld.idx.msk [tilespmem:v1+s12+$0x0], $0xffff  }
0xc0: {  	v1 =	vadd.f32 v3, v2;
	v2 =	vmul.f32 v7, v6  }
0xc1: {  	s28 =	simm.s32 $0x10  }
0xc2: {  	v3 =	vmov s28;
	v4 =	vmul.f32 v4, v58;
	v2 =	vadd.f32 v2, v1  }
0xc3: {  	v1 =	vshll.u32 v3, $0x6  }
0xc4: {  	v1 =	vor.u32 v0, v1;
	v3 =	vmul.f32 v5, v59;
	v2 =	vadd.f32 v4, v2;
	_ =	sdelay $0x1  }
0xc5: {  	v4 =	vor.u32 $0x1, v1;
	v2 =	vadd.f32 v3, v2;
	_ =	sdelay $0x1  }
0xc6: {  	v3 =	vor.u32 $0x2, v1;
	[tilespmem:s25+$0x0] =	vst v2  }
0xc7: {  	v2 =	vld.idx.msk [tilespmem:v1+s12+$0x0], $0xffff  }
0xc8: {  	v6 =	vor.u32 $0x3, v1;
	v5 =	vld.idx.msk [tilespmem:v1+s11+$0x0], $0xffff  }
0xc9: {  	v7 =	vld.idx.msk [tilespmem:v4+s11+$0x0], $0xffff  }
0xca: {  	v60 =	vor.u32 $0x4, v1;
	v4 =	vld.idx.msk [tilespmem:v4+s12+$0x0], $0xffff  }
0xcb: {  	v61 =	vld.idx.msk [tilespmem:v3+s11+$0x0], $0xffff  }
0xcc: {  	v62 =	vor.u32 $0x5, v1;
	v3 =	vld.idx.msk [tilespmem:v3+s12+$0x0], $0xffff  }
0xcd: {  	v63 =	vld.idx.msk [tilespmem:v6+s11+$0x0], $0xffff;
	v2 =	vmul.f32 v2, v5  }
0xce: {  	v5 =	vld.idx.msk [tilespmem:v6+s12+$0x0], $0xffff;
	v6 =	vor.u32 $0x6, v1  }
0xcf: {  	v16 =	vld.idx.msk [tilespmem:v60+s11+$0x0], $0xffff;
	v4 =	vmul.f32 v4, v7;
	v2 =	vadd.f32 $0.0e+00, v2  }
0xd0: {  	v17 =	vor.u32 $0x7, v1;
	v7 =	vld.idx.msk [tilespmem:v60+s12+$0x0], $0xffff  }
0xd1: {  	v18 =	vld.idx.msk [tilespmem:v62+s11+$0x0], $0xffff;
	v3 =	vmul.f32 v3, v61;
	v2 =	vadd.f32 v4, v2  }
0xd2: {  	v19 =	vor.u32 $0x8, v1;
	v4 =	vld.idx.msk [tilespmem:v62+s12+$0x0], $0xffff  }
0xd3: {  	v20 =	vld.idx.msk [tilespmem:v6+s11+$0x0], $0xffff;
	v2 =	vadd.f32 v3, v2;
	v3 =	vmul.f32 v5, v63  }
0xd4: {  	v5 =	vld.idx.msk [tilespmem:v6+s12+$0x0], $0xffff;
	v6 =	vor.u32 $0x9, v1  }
0xd5: {  	v21 =	vld.idx.msk [tilespmem:v17+s11+$0x0], $0xffff;
	v2 =	vadd.f32 v3, v2;
	v3 =	vmul.f32 v7, v16  }
0xd6: {  	v22 =	vor.u32 $0xA, v1;
	v7 =	vld.idx.msk [tilespmem:v17+s12+$0x0], $0xffff  }
0xd7: {  	v23 =	vld.idx.msk [tilespmem:v19+s11+$0x0], $0xffff;
	v2 =	vadd.f32 v3, v2;
	v3 =	vmul.f32 v4, v18  }
0xd8: {  	v24 =	vor.u32 $0xB, v1;
	v4 =	vld.idx.msk [tilespmem:v19+s12+$0x0], $0xffff  }
0xd9: {  	v25 =	vld.idx.msk [tilespmem:v6+s11+$0x0], $0xffff;
	v2 =	vadd.f32 v3, v2;
	v3 =	vmul.f32 v5, v20  }
0xda: {  	v5 =	vld.idx.msk [tilespmem:v6+s12+$0x0], $0xffff;
	v6 =	vor.u32 $0xC, v1  }
0xdb: {  	v26 =	vld.idx.msk [tilespmem:v22+s11+$0x0], $0xffff;
	v2 =	vadd.f32 v3, v2;
	v3 =	vmul.f32 v7, v21  }
0xdc: {  	v27 =	vor.u32 $0xD, v1;
	v7 =	vld.idx.msk [tilespmem:v22+s12+$0x0], $0xffff  }
0xdd: {  	v28 =	vld.idx.msk [tilespmem:v24+s11+$0x0], $0xffff;
	v2 =	vadd.f32 v3, v2;
	v3 =	vmul.f32 v4, v23  }
0xde: {  	v29 =	vor.u32 $0xE, v1;
	v4 =	vld.idx.msk [tilespmem:v24+s12+$0x0], $0xffff  }
0xdf: {  	v30 =	vld.idx.msk [tilespmem:v6+s11+$0x0], $0xffff;
	v2 =	vadd.f32 v3, v2;
	v3 =	vmul.f32 v5, v25  }
0xe0: {  	v5 =	vld.idx.msk [tilespmem:v6+s12+$0x0], $0xffff;
	v6 =	vor.u32 $0xF, v1  }
0xe1: {  	v31 =	vld.idx.msk [tilespmem:v27+s11+$0x0], $0xffff;
	v2 =	vadd.f32 v3, v2;
	v3 =	vmul.f32 v7, v26  }
0xe2: {  	v32 =	vor.u32 $0x10, v1;
	v7 =	vld.idx.msk [tilespmem:v27+s12+$0x0], $0xffff  }
0xe3: {  	v33 =	vld.idx.msk [tilespmem:v29+s11+$0x0], $0xffff;
	v2 =	vadd.f32 v3, v2;
	v3 =	vmul.f32 v4, v28  }
0xe4: {  	v34 =	vor.u32 $0x11, v1;
	v4 =	vld.idx.msk [tilespmem:v29+s12+$0x0], $0xffff  }
0xe5: {  	v35 =	vld.idx.msk [tilespmem:v6+s11+$0x0], $0xffff;
	v2 =	vadd.f32 v3, v2;
	v3 =	vmul.f32 v5, v30  }
0xe6: {  	v5 =	vld.idx.msk [tilespmem:v6+s12+$0x0], $0xffff;
	v6 =	vor.u32 $0x12, v1  }
0xe7: {  	v36 =	vld.idx.msk [tilespmem:v32+s11+$0x0], $0xffff;
	v2 =	vadd.f32 v3, v2;
	v3 =	vmul.f32 v7, v31  }
0xe8: {  	v37 =	vor.u32 $0x13, v1;
	v7 =	vld.idx.msk [tilespmem:v32+s12+$0x0], $0xffff  }
0xe9: {  	v38 =	vld.idx.msk [tilespmem:v34+s11+$0x0], $0xffff;
	v2 =	vadd.f32 v3, v2;
	v3 =	vmul.f32 v4, v33  }
0xea: {  	v39 =	vor.u32 $0x14, v1;
	v4 =	vld.idx.msk [tilespmem:v34+s12+$0x0], $0xffff  }
0xeb: {  	v40 =	vld.idx.msk [tilespmem:v6+s11+$0x0], $0xffff;
	v2 =	vadd.f32 v3, v2;
	v3 =	vmul.f32 v5, v35  }
0xec: {  	v5 =	vld.idx.msk [tilespmem:v6+s12+$0x0], $0xffff;
	v6 =	vor.u32 $0x15, v1  }
0xed: {  	v41 =	vld.idx.msk [tilespmem:v37+s11+$0x0], $0xffff;
	v2 =	vadd.f32 v3, v2;
	v3 =	vmul.f32 v7, v36  }
0xee: {  	v42 =	vor.u32 $0x16, v1;
	v7 =	vld.idx.msk [tilespmem:v37+s12+$0x0], $0xffff  }
0xef: {  	v43 =	vld.idx.msk [tilespmem:v39+s11+$0x0], $0xffff;
	v2 =	vadd.f32 v3, v2;
	v3 =	vmul.f32 v4, v38  }
0xf0: {  	v44 =	vor.u32 $0x17, v1;
	v4 =	vld.idx.msk [tilespmem:v39+s12+$0x0], $0xffff  }
0xf1: {  	v45 =	vld.idx.msk [tilespmem:v6+s11+$0x0], $0xffff;
	v2 =	vadd.f32 v3, v2;
	v3 =	vmul.f32 v5, v40  }
0xf2: {  	v5 =	vld.idx.msk [tilespmem:v6+s12+$0x0], $0xffff;
	v6 =	vor.u32 $0x18, v1  }
0xf3: {  	v46 =	vld.idx.msk [tilespmem:v42+s11+$0x0], $0xffff;
	v2 =	vadd.f32 v3, v2;
	v3 =	vmul.f32 v7, v41  }
0xf4: {  	v47 =	vor.u32 $0x19, v1;
	v7 =	vld.idx.msk [tilespmem:v42+s12+$0x0], $0xffff  }
0xf5: {  	v48 =	vld.idx.msk [tilespmem:v44+s11+$0x0], $0xffff;
	v2 =	vadd.f32 v3, v2;
	v3 =	vmul.f32 v4, v43  }
0xf6: {  	v49 =	vor.u32 $0x1A, v1;
	v4 =	vld.idx.msk [tilespmem:v44+s12+$0x0], $0xffff  }
0xf7: {  	v50 =	vld.idx.msk [tilespmem:v6+s11+$0x0], $0xffff;
	v2 =	vadd.f32 v3, v2;
	v3 =	vmul.f32 v5, v45  }
0xf8: {  	v5 =	vld.idx.msk [tilespmem:v6+s12+$0x0], $0xffff;
	v6 =	vor.u32 $0x1B, v1  }
0xf9: {  	v51 =	vld.idx.msk [tilespmem:v47+s11+$0x0], $0xffff;
	v2 =	vadd.f32 v3, v2;
	v3 =	vmul.f32 v7, v46  }
0xfa: {  	v52 =	vor.u32 $0x1C, v1;
	v7 =	vld.idx.msk [tilespmem:v47+s12+$0x0], $0xffff  }
0xfb: {  	v53 =	vld.idx.msk [tilespmem:v49+s11+$0x0], $0xffff;
	v2 =	vadd.f32 v3, v2;
	v3 =	vmul.f32 v4, v48  }
0xfc: {  	v54 =	vor.u32 $0x1D, v1;
	v4 =	vld.idx.msk [tilespmem:v49+s12+$0x0], $0xffff  }
0xfd: {  	v55 =	vld.idx.msk [tilespmem:v6+s11+$0x0], $0xffff;
	v2 =	vadd.f32 v3, v2;
	v3 =	vmul.f32 v5, v50  }
0xfe: {  	v5 =	vld.idx.msk [tilespmem:v6+s12+$0x0], $0xffff;
	v6 =	vor.u32 $0x1E, v1  }
0xff: {  	v56 =	vld.idx.msk [tilespmem:v52+s11+$0x0], $0xffff;
	v2 =	vadd.f32 v3, v2;
	v3 =	vmul.f32 v7, v51  }
0x100: {  	v57 =	vor.u32 $0x1F, v1;
	v7 =	vld.idx.msk [tilespmem:v52+s12+$0x0], $0xffff  }
0x101: {  	v58 =	vld.idx.msk [tilespmem:v54+s11+$0x0], $0xffff;
	v2 =	vadd.f32 v3, v2;
	v3 =	vmul.f32 v4, v53  }
0x102: {  	v59 =	vor.u32 $0x20, v1;
	v4 =	vld.idx.msk [tilespmem:v54+s12+$0x0], $0xffff  }
0x103: {  	v60 =	vld.idx.msk [tilespmem:v6+s11+$0x0], $0xffff;
	v2 =	vadd.f32 v3, v2;
	v3 =	vmul.f32 v5, v55  }
0x104: {  	v5 =	vld.idx.msk [tilespmem:v6+s12+$0x0], $0xffff;
	v6 =	vor.u32 $0x21, v1  }
0x105: {  	v61 =	vld.idx.msk [tilespmem:v57+s11+$0x0], $0xffff;
	v2 =	vadd.f32 v3, v2;
	v3 =	vmul.f32 v7, v56  }
0x106: {  	v62 =	vor.u32 $0x22, v1;
	v7 =	vld.idx.msk [tilespmem:v57+s12+$0x0], $0xffff  }
0x107: {  	v63 =	vld.idx.msk [tilespmem:v59+s11+$0x0], $0xffff;
	v2 =	vadd.f32 v3, v2;
	v3 =	vmul.f32 v4, v58  }
0x108: {  	v16 =	vor.u32 $0x23, v1;
	v4 =	vld.idx.msk [tilespmem:v59+s12+$0x0], $0xffff  }
0x109: {  	v17 =	vld.idx.msk [tilespmem:v6+s11+$0x0], $0xffff;
	v2 =	vadd.f32 v3, v2;
	v3 =	vmul.f32 v5, v60  }
0x10a: {  	v5 =	vld.idx.msk [tilespmem:v6+s12+$0x0], $0xffff;
	v6 =	vor.u32 $0x24, v1  }
0x10b: {  	v18 =	vld.idx.msk [tilespmem:v62+s11+$0x0], $0xffff;
	v2 =	vadd.f32 v3, v2;
	v3 =	vmul.f32 v7, v61  }
0x10c: {  	v19 =	vor.u32 $0x25, v1;
	v7 =	vld.idx.msk [tilespmem:v62+s12+$0x0], $0xffff  }
0x10d: {  	v20 =	vld.idx.msk [tilespmem:v16+s11+$0x0], $0xffff;
	v2 =	vadd.f32 v3, v2;
	v3 =	vmul.f32 v4, v63  }
0x10e: {  	v21 =	vor.u32 $0x26, v1;
	v4 =	vld.idx.msk [tilespmem:v16+s12+$0x0], $0xffff  }
0x10f: {  	v22 =	vld.idx.msk [tilespmem:v6+s11+$0x0], $0xffff;
	v2 =	vadd.f32 v3, v2;
	v3 =	vmul.f32 v5, v17  }
0x110: {  	v5 =	vld.idx.msk [tilespmem:v6+s12+$0x0], $0xffff;
	v6 =	vor.u32 $0x27, v1  }
0x111: {  	v23 =	vld.idx.msk [tilespmem:v19+s11+$0x0], $0xffff;
	v2 =	vadd.f32 v3, v2;
	v3 =	vmul.f32 v7, v18  }
0x112: {  	v24 =	vor.u32 $0x28, v1;
	v7 =	vld.idx.msk [tilespmem:v19+s12+$0x0], $0xffff  }
0x113: {  	v25 =	vld.idx.msk [tilespmem:v21+s11+$0x0], $0xffff;
	v2 =	vadd.f32 v3, v2;
	v3 =	vmul.f32 v4, v20  }
0x114: {  	v26 =	vor.u32 $0x29, v1;
	v4 =	vld.idx.msk [tilespmem:v21+s12+$0x0], $0xffff  }
0x115: {  	v27 =	vld.idx.msk [tilespmem:v6+s11+$0x0], $0xffff;
	v2 =	vadd.f32 v3, v2;
	v3 =	vmul.f32 v5, v22  }
0x116: {  	v5 =	vld.idx.msk [tilespmem:v6+s12+$0x0], $0xffff;
	v6 =	vor.u32 $0x2A, v1  }
0x117: {  	v28 =	vld.idx.msk [tilespmem:v24+s11+$0x0], $0xffff;
	v2 =	vadd.f32 v3, v2;
	v3 =	vmul.f32 v7, v23  }
0x118: {  	v29 =	vor.u32 $0x2B, v1;
	v7 =	vld.idx.msk [tilespmem:v24+s12+$0x0], $0xffff  }
0x119: {  	v30 =	vld.idx.msk [tilespmem:v26+s11+$0x0], $0xffff;
	v2 =	vadd.f32 v3, v2;
	v3 =	vmul.f32 v4, v25  }
0x11a: {  	v31 =	vor.u32 $0x2C, v1;
	v4 =	vld.idx.msk [tilespmem:v26+s12+$0x0], $0xffff  }
0x11b: {  	v32 =	vld.idx.msk [tilespmem:v6+s11+$0x0], $0xffff;
	v2 =	vadd.f32 v3, v2;
	v3 =	vmul.f32 v5, v27  }
0x11c: {  	v5 =	vld.idx.msk [tilespmem:v6+s12+$0x0], $0xffff;
	v6 =	vor.u32 $0x2D, v1  }
0x11d: {  	v33 =	vld.idx.msk [tilespmem:v29+s11+$0x0], $0xffff;
	v2 =	vadd.f32 v3, v2;
	v3 =	vmul.f32 v7, v28  }
0x11e: {  	v34 =	vor.u32 $0x2E, v1;
	v7 =	vld.idx.msk [tilespmem:v29+s12+$0x0], $0xffff  }
0x11f: {  	v35 =	vld.idx.msk [tilespmem:v31+s11+$0x0], $0xffff;
	v2 =	vadd.f32 v3, v2;
	v3 =	vmul.f32 v4, v30  }
0x120: {  	v36 =	vor.u32 $0x2F, v1;
	v4 =	vld.idx.msk [tilespmem:v31+s12+$0x0], $0xffff  }
0x121: {  	v37 =	vld.idx.msk [tilespmem:v6+s11+$0x0], $0xffff;
	v2 =	vadd.f32 v3, v2;
	v3 =	vmul.f32 v5, v32  }
0x122: {  	v5 =	vld.idx.msk [tilespmem:v6+s12+$0x0], $0xffff;
	v6 =	vor.u32 $0x30, v1  }
0x123: {  	v38 =	vld.idx.msk [tilespmem:v34+s11+$0x0], $0xffff;
	v2 =	vadd.f32 v3, v2;
	v3 =	vmul.f32 v7, v33  }
0x124: {  	v39 =	vor.u32 $0x31, v1;
	v7 =	vld.idx.msk [tilespmem:v34+s12+$0x0], $0xffff  }
0x125: {  	v40 =	vld.idx.msk [tilespmem:v36+s11+$0x0], $0xffff;
	v2 =	vadd.f32 v3, v2;
	v3 =	vmul.f32 v4, v35  }
0x126: {  	v41 =	vor.u32 $0x32, v1;
	v4 =	vld.idx.msk [tilespmem:v36+s12+$0x0], $0xffff  }
0x127: {  	v42 =	vld.idx.msk [tilespmem:v6+s11+$0x0], $0xffff;
	v2 =	vadd.f32 v3, v2;
	v3 =	vmul.f32 v5, v37  }
0x128: {  	v5 =	vld.idx.msk [tilespmem:v6+s12+$0x0], $0xffff;
	v6 =	vor.u32 $0x33, v1  }
0x129: {  	v43 =	vld.idx.msk [tilespmem:v39+s11+$0x0], $0xffff;
	v2 =	vadd.f32 v3, v2;
	v3 =	vmul.f32 v7, v38  }
0x12a: {  	v44 =	vor.u32 $0x34, v1;
	v7 =	vld.idx.msk [tilespmem:v39+s12+$0x0], $0xffff  }
0x12b: {  	v45 =	vld.idx.msk [tilespmem:v41+s11+$0x0], $0xffff;
	v2 =	vadd.f32 v3, v2;
	v3 =	vmul.f32 v4, v40  }
0x12c: {  	v46 =	vor.u32 $0x35, v1;
	v4 =	vld.idx.msk [tilespmem:v41+s12+$0x0], $0xffff  }
0x12d: {  	v47 =	vld.idx.msk [tilespmem:v6+s11+$0x0], $0xffff;
	v2 =	vadd.f32 v3, v2;
	v3 =	vmul.f32 v5, v42  }
0x12e: {  	v5 =	vld.idx.msk [tilespmem:v6+s12+$0x0], $0xffff;
	v6 =	vor.u32 $0x36, v1  }
0x12f: {  	v48 =	vld.idx.msk [tilespmem:v44+s11+$0x0], $0xffff;
	v2 =	vadd.f32 v3, v2;
	v3 =	vmul.f32 v7, v43  }
0x130: {  	v49 =	vor.u32 $0x37, v1;
	v7 =	vld.idx.msk [tilespmem:v44+s12+$0x0], $0xffff  }
0x131: {  	v50 =	vld.idx.msk [tilespmem:v46+s11+$0x0], $0xffff;
	v2 =	vadd.f32 v3, v2;
	v3 =	vmul.f32 v4, v45  }
0x132: {  	v51 =	vor.u32 $0x38, v1;
	v4 =	vld.idx.msk [tilespmem:v46+s12+$0x0], $0xffff  }
0x133: {  	v52 =	vld.idx.msk [tilespmem:v6+s11+$0x0], $0xffff;
	v2 =	vadd.f32 v3, v2;
	v3 =	vmul.f32 v5, v47  }
0x134: {  	v5 =	vld.idx.msk [tilespmem:v6+s12+$0x0], $0xffff;
	v6 =	vor.u32 $0x39, v1  }
0x135: {  	v53 =	vld.idx.msk [tilespmem:v49+s11+$0x0], $0xffff;
	v2 =	vadd.f32 v3, v2;
	v3 =	vmul.f32 v7, v48  }
0x136: {  	v54 =	vor.u32 $0x3A, v1;
	v7 =	vld.idx.msk [tilespmem:v49+s12+$0x0], $0xffff  }
0x137: {  	v55 =	vld.idx.msk [tilespmem:v51+s11+$0x0], $0xffff;
	v2 =	vadd.f32 v3, v2;
	v3 =	vmul.f32 v4, v50  }
0x138: {  	v56 =	vor.u32 $0x3B, v1;
	v4 =	vld.idx.msk [tilespmem:v51+s12+$0x0], $0xffff  }
0x139: {  	v57 =	vld.idx.msk [tilespmem:v6+s11+$0x0], $0xffff;
	v2 =	vadd.f32 v3, v2;
	v3 =	vmul.f32 v5, v52  }
0x13a: {  	v5 =	vld.idx.msk [tilespmem:v6+s12+$0x0], $0xffff;
	v6 =	vor.u32 $0x3C, v1  }
0x13b: {  	v58 =	vld.idx.msk [tilespmem:v54+s11+$0x0], $0xffff;
	v2 =	vadd.f32 v3, v2;
	v3 =	vmul.f32 v7, v53  }
0x13c: {  	v7 =	vld.idx.msk [tilespmem:v54+s12+$0x0], $0xffff  }
0x13d: {  	v60 =	vld.idx.msk [tilespmem:v56+s11+$0x0], $0xffff;
	v2 =	vadd.f32 v3, v2;
	v3 =	vmul.f32 v4, v55  }
0x13e: {  	v59 =	vor.u32 $0x3D, v1;
	v4 =	vld.idx.msk [tilespmem:v56+s12+$0x0], $0xffff  }
0x13f: {  	v62 =	vld.idx.msk [tilespmem:v6+s11+$0x0], $0xffff;
	v2 =	vadd.f32 v3, v2;
	v3 =	vmul.f32 v5, v57  }
0x140: {  	v61 =	vor.u32 $0x3E, v1;
	v5 =	vld.idx.msk [tilespmem:v6+s12+$0x0], $0xffff  }
0x141: {  	v2 =	vadd.f32 v3, v2;
	v3 =	vmul.f32 v7, v58  }
0x142: {  	v1 =	vor.u32 $0x3F, v1  }
0x143: {  	v6 =	vld.idx.msk [tilespmem:v59+s11+$0x0], $0xffff;
	v2 =	vadd.f32 v3, v2;
	v3 =	vmul.f32 v4, v60  }
0x144: {  	v7 =	vld.idx.msk [tilespmem:v59+s12+$0x0], $0xffff  }
0x145: {  	v63 =	vld.idx.msk [tilespmem:v61+s11+$0x0], $0xffff;
	v2 =	vadd.f32 v3, v2;
	v3 =	vmul.f32 v5, v62  }
0x146: {  	v9 =	vld.idx.msk [tilespmem:v61+s12+$0x0], $0xffff  }
0x147: {  	v4 =	vadd.f32 v3, v2;
	v2 =	vld.idx.msk [tilespmem:v1+s11+$0x0], $0xffff  }
0x148: {  	v3 =	vld.idx.msk [tilespmem:v1+s12+$0x0], $0xffff  }
0x149: {  	v5 =	vmul.f32 v7, v6  }
0x14a: {  	s28 =	simm.s32 $0x20  }
0x14b: {  	v6 =	vmov s28;
	v4 =	vadd.f32 v5, v4;
	v5 =	vmul.f32 v9, v63  }
0x14c: {  	s29 =	simm.s32 $0x30;
	s28 =	simm.s32 $0x10400;
	v1 =	vshll.u32 v6, $0x6  }
.LBB2_2:
0x14d: {  	p0 =	sne.s32 s29, $0x1F0;
	v1 =	vor.u32 v0, v1;
	v4 =	vadd.f32 v5, v4;
	v2 =	vmul.f32 v3, v2;
	_ =	sdelay $0x1  }
0x14e: {  	v3 =	vor.u32 $0x1, v1;
	v2 =	vadd.f32 v2, v4  }
0x14f: {  	s28 =	sadd.s32 $0x10, s28  }
0x150: {  	v4 =	vor.u32 $0x2, v1;
	[tilespmem:s28+$0x0] =	vst v2  }
0x151: {  	v2 =	vld.idx.msk [tilespmem:v1+s12+$0x0], $0xffff  }
0x152: {  	v6 =	vor.u32 $0x3, v1;
	v5 =	vld.idx.msk [tilespmem:v1+s11+$0x0], $0xffff  }
0x153: {  	v7 =	vld.idx.msk [tilespmem:v3+s11+$0x0], $0xffff  }
0x154: {  	v8 =	vor.u32 $0x4, v1;
	v3 =	vld.idx.msk [tilespmem:v3+s12+$0x0], $0xffff  }
0x155: {  	v9 =	vld.idx.msk [tilespmem:v4+s11+$0x0], $0xffff  }
0x156: {  	v10 =	vor.u32 $0x5, v1;
	v4 =	vld.idx.msk [tilespmem:v4+s12+$0x0], $0xffff  }
0x157: {  	v11 =	vld.idx.msk [tilespmem:v6+s11+$0x0], $0xffff  }
0x158: {  	v2 =	vmul.f32 v2, v5;
	v5 =	vld.idx.msk [tilespmem:v6+s12+$0x0], $0xffff;
	v6 =	vor.u32 $0x6, v1  }
0x159: {  	v12 =	vld.idx.msk [tilespmem:v8+s11+$0x0], $0xffff  }
0x15a: {  	v2 =	vadd.f32 $0.0e+00, v2;
	v3 =	vmul.f32 v3, v7;
	v7 =	vld.idx.msk [tilespmem:v8+s12+$0x0], $0xffff;
	v8 =	vor.u32 $0x7, v1  }
0x15b: {  	v13 =	vld.idx.msk [tilespmem:v10+s11+$0x0], $0xffff  }
0x15c: {  	v2 =	vadd.f32 v3, v2;
	v3 =	vmul.f32 v4, v9;
	v9 =	vor.u32 $0x8, v1;
	v4 =	vld.idx.msk [tilespmem:v10+s12+$0x0], $0xffff  }
0x15d: {  	v10 =	vld.idx.msk [tilespmem:v6+s11+$0x0], $0xffff  }
0x15e: {  	v2 =	vadd.f32 v3, v2;
	v3 =	vmul.f32 v5, v11;
	v5 =	vld.idx.msk [tilespmem:v6+s12+$0x0], $0xffff;
	v6 =	vor.u32 $0x9, v1  }
0x15f: {  	v11 =	vld.idx.msk [tilespmem:v8+s11+$0x0], $0xffff  }
0x160: {  	v2 =	vadd.f32 v3, v2;
	v3 =	vmul.f32 v7, v12;
	v7 =	vld.idx.msk [tilespmem:v8+s12+$0x0], $0xffff;
	v8 =	vor.u32 $0xA, v1  }
0x161: {  	v12 =	vld.idx.msk [tilespmem:v9+s11+$0x0], $0xffff  }
0x162: {  	v2 =	vadd.f32 v3, v2;
	v3 =	vmul.f32 v4, v13;
	v4 =	vld.idx.msk [tilespmem:v9+s12+$0x0], $0xffff;
	v9 =	vor.u32 $0xB, v1  }
0x163: {  	v13 =	vld.idx.msk [tilespmem:v6+s11+$0x0], $0xffff  }
0x164: {  	v2 =	vadd.f32 v3, v2;
	v3 =	vmul.f32 v5, v10;
	v5 =	vld.idx.msk [tilespmem:v6+s12+$0x0], $0xffff;
	v6 =	vor.u32 $0xC, v1  }
0x165: {  	v10 =	vld.idx.msk [tilespmem:v8+s11+$0x0], $0xffff  }
0x166: {  	v2 =	vadd.f32 v3, v2;
	v3 =	vmul.f32 v7, v11;
	v7 =	vld.idx.msk [tilespmem:v8+s12+$0x0], $0xffff;
	v8 =	vor.u32 $0xD, v1  }
0x167: {  	v11 =	vld.idx.msk [tilespmem:v9+s11+$0x0], $0xffff  }
0x168: {  	v2 =	vadd.f32 v3, v2;
	v3 =	vmul.f32 v4, v12;
	v4 =	vld.idx.msk [tilespmem:v9+s12+$0x0], $0xffff;
	v9 =	vor.u32 $0xE, v1  }
0x169: {  	v12 =	vld.idx.msk [tilespmem:v6+s11+$0x0], $0xffff  }
0x16a: {  	v2 =	vadd.f32 v3, v2;
	v3 =	vmul.f32 v5, v13;
	v5 =	vld.idx.msk [tilespmem:v6+s12+$0x0], $0xffff;
	v6 =	vor.u32 $0xF, v1  }
0x16b: {  	v13 =	vld.idx.msk [tilespmem:v8+s11+$0x0], $0xffff  }
0x16c: {  	v2 =	vadd.f32 v3, v2;
	v3 =	vmul.f32 v7, v10;
	v7 =	vld.idx.msk [tilespmem:v8+s12+$0x0], $0xffff;
	v8 =	vor.u32 $0x10, v1  }
0x16d: {  	v10 =	vld.idx.msk [tilespmem:v9+s11+$0x0], $0xffff  }
0x16e: {  	v2 =	vadd.f32 v3, v2;
	v3 =	vmul.f32 v4, v11;
	v4 =	vld.idx.msk [tilespmem:v9+s12+$0x0], $0xffff;
	v9 =	vor.u32 $0x11, v1  }
0x16f: {  	v11 =	vld.idx.msk [tilespmem:v6+s11+$0x0], $0xffff  }
0x170: {  	v2 =	vadd.f32 v3, v2;
	v3 =	vmul.f32 v5, v12;
	v5 =	vld.idx.msk [tilespmem:v6+s12+$0x0], $0xffff;
	v6 =	vor.u32 $0x12, v1  }
0x171: {  	v12 =	vld.idx.msk [tilespmem:v8+s11+$0x0], $0xffff  }
0x172: {  	v2 =	vadd.f32 v3, v2;
	v3 =	vmul.f32 v7, v13;
	v7 =	vld.idx.msk [tilespmem:v8+s12+$0x0], $0xffff;
	v8 =	vor.u32 $0x13, v1  }
0x173: {  	v13 =	vld.idx.msk [tilespmem:v9+s11+$0x0], $0xffff  }
0x174: {  	v2 =	vadd.f32 v3, v2;
	v3 =	vmul.f32 v4, v10;
	v4 =	vld.idx.msk [tilespmem:v9+s12+$0x0], $0xffff;
	v9 =	vor.u32 $0x14, v1  }
0x175: {  	v10 =	vld.idx.msk [tilespmem:v6+s11+$0x0], $0xffff  }
0x176: {  	v2 =	vadd.f32 v3, v2;
	v3 =	vmul.f32 v5, v11;
	v5 =	vld.idx.msk [tilespmem:v6+s12+$0x0], $0xffff;
	v6 =	vor.u32 $0x15, v1  }
0x177: {  	v11 =	vld.idx.msk [tilespmem:v8+s11+$0x0], $0xffff  }
0x178: {  	v2 =	vadd.f32 v3, v2;
	v3 =	vmul.f32 v7, v12;
	v7 =	vld.idx.msk [tilespmem:v8+s12+$0x0], $0xffff;
	v8 =	vor.u32 $0x16, v1  }
0x179: {  	v12 =	vld.idx.msk [tilespmem:v9+s11+$0x0], $0xffff  }
0x17a: {  	v2 =	vadd.f32 v3, v2;
	v3 =	vmul.f32 v4, v13;
	v4 =	vld.idx.msk [tilespmem:v9+s12+$0x0], $0xffff;
	v9 =	vor.u32 $0x17, v1  }
0x17b: {  	v13 =	vld.idx.msk [tilespmem:v6+s11+$0x0], $0xffff  }
0x17c: {  	v2 =	vadd.f32 v3, v2;
	v3 =	vmul.f32 v5, v10;
	v5 =	vld.idx.msk [tilespmem:v6+s12+$0x0], $0xffff;
	v6 =	vor.u32 $0x18, v1  }
0x17d: {  	v10 =	vld.idx.msk [tilespmem:v8+s11+$0x0], $0xffff  }
0x17e: {  	v2 =	vadd.f32 v3, v2;
	v3 =	vmul.f32 v7, v11;
	v7 =	vld.idx.msk [tilespmem:v8+s12+$0x0], $0xffff;
	v8 =	vor.u32 $0x19, v1  }
0x17f: {  	v11 =	vld.idx.msk [tilespmem:v9+s11+$0x0], $0xffff  }
0x180: {  	v2 =	vadd.f32 v3, v2;
	v3 =	vmul.f32 v4, v12;
	v4 =	vld.idx.msk [tilespmem:v9+s12+$0x0], $0xffff;
	v9 =	vor.u32 $0x1A, v1  }
0x181: {  	v12 =	vld.idx.msk [tilespmem:v6+s11+$0x0], $0xffff  }
0x182: {  	v2 =	vadd.f32 v3, v2;
	v3 =	vmul.f32 v5, v13;
	v5 =	vld.idx.msk [tilespmem:v6+s12+$0x0], $0xffff;
	v6 =	vor.u32 $0x1B, v1  }
0x183: {  	v13 =	vld.idx.msk [tilespmem:v8+s11+$0x0], $0xffff  }
0x184: {  	v2 =	vadd.f32 v3, v2;
	v3 =	vmul.f32 v7, v10;
	v7 =	vld.idx.msk [tilespmem:v8+s12+$0x0], $0xffff;
	v8 =	vor.u32 $0x1C, v1  }
0x185: {  	v10 =	vld.idx.msk [tilespmem:v9+s11+$0x0], $0xffff  }
0x186: {  	v2 =	vadd.f32 v3, v2;
	v3 =	vmul.f32 v4, v11;
	v4 =	vld.idx.msk [tilespmem:v9+s12+$0x0], $0xffff;
	v9 =	vor.u32 $0x1D, v1  }
0x187: {  	v11 =	vld.idx.msk [tilespmem:v6+s11+$0x0], $0xffff  }
0x188: {  	v2 =	vadd.f32 v3, v2;
	v3 =	vmul.f32 v5, v12;
	v5 =	vld.idx.msk [tilespmem:v6+s12+$0x0], $0xffff;
	v6 =	vor.u32 $0x1E, v1  }
0x189: {  	v12 =	vld.idx.msk [tilespmem:v8+s11+$0x0], $0xffff  }
0x18a: {  	v2 =	vadd.f32 v3, v2;
	v3 =	vmul.f32 v7, v13;
	v7 =	vld.idx.msk [tilespmem:v8+s12+$0x0], $0xffff;
	v8 =	vor.u32 $0x1F, v1  }
0x18b: {  	v13 =	vld.idx.msk [tilespmem:v9+s11+$0x0], $0xffff  }
0x18c: {  	v2 =	vadd.f32 v3, v2;
	v3 =	vmul.f32 v4, v10;
	v4 =	vld.idx.msk [tilespmem:v9+s12+$0x0], $0xffff;
	v9 =	vor.u32 $0x20, v1  }
0x18d: {  	v10 =	vld.idx.msk [tilespmem:v6+s11+$0x0], $0xffff  }
0x18e: {  	v2 =	vadd.f32 v3, v2;
	v3 =	vmul.f32 v5, v11;
	v5 =	vld.idx.msk [tilespmem:v6+s12+$0x0], $0xffff;
	v6 =	vor.u32 $0x21, v1  }
0x18f: {  	v11 =	vld.idx.msk [tilespmem:v8+s11+$0x0], $0xffff  }
0x190: {  	v2 =	vadd.f32 v3, v2;
	v3 =	vmul.f32 v7, v12;
	v7 =	vld.idx.msk [tilespmem:v8+s12+$0x0], $0xffff;
	v8 =	vor.u32 $0x22, v1  }
0x191: {  	v12 =	vld.idx.msk [tilespmem:v9+s11+$0x0], $0xffff  }
0x192: {  	v2 =	vadd.f32 v3, v2;
	v3 =	vmul.f32 v4, v13;
	v4 =	vld.idx.msk [tilespmem:v9+s12+$0x0], $0xffff;
	v9 =	vor.u32 $0x23, v1  }
0x193: {  	v13 =	vld.idx.msk [tilespmem:v6+s11+$0x0], $0xffff  }
0x194: {  	v2 =	vadd.f32 v3, v2;
	v3 =	vmul.f32 v5, v10;
	v5 =	vld.idx.msk [tilespmem:v6+s12+$0x0], $0xffff;
	v6 =	vor.u32 $0x24, v1  }
0x195: {  	v10 =	vld.idx.msk [tilespmem:v8+s11+$0x0], $0xffff  }
0x196: {  	v2 =	vadd.f32 v3, v2;
	v3 =	vmul.f32 v7, v11;
	v7 =	vld.idx.msk [tilespmem:v8+s12+$0x0], $0xffff;
	v8 =	vor.u32 $0x25, v1  }
0x197: {  	v11 =	vld.idx.msk [tilespmem:v9+s11+$0x0], $0xffff  }
0x198: {  	v2 =	vadd.f32 v3, v2;
	v3 =	vmul.f32 v4, v12;
	v4 =	vld.idx.msk [tilespmem:v9+s12+$0x0], $0xffff;
	v9 =	vor.u32 $0x26, v1  }
0x199: {  	v12 =	vld.idx.msk [tilespmem:v6+s11+$0x0], $0xffff  }
0x19a: {  	v2 =	vadd.f32 v3, v2;
	v3 =	vmul.f32 v5, v13;
	v5 =	vld.idx.msk [tilespmem:v6+s12+$0x0], $0xffff;
	v6 =	vor.u32 $0x27, v1  }
0x19b: {  	v13 =	vld.idx.msk [tilespmem:v8+s11+$0x0], $0xffff  }
0x19c: {  	v2 =	vadd.f32 v3, v2;
	v3 =	vmul.f32 v7, v10;
	v7 =	vld.idx.msk [tilespmem:v8+s12+$0x0], $0xffff;
	v8 =	vor.u32 $0x28, v1  }
0x19d: {  	v10 =	vld.idx.msk [tilespmem:v9+s11+$0x0], $0xffff  }
0x19e: {  	v2 =	vadd.f32 v3, v2;
	v3 =	vmul.f32 v4, v11;
	v4 =	vld.idx.msk [tilespmem:v9+s12+$0x0], $0xffff;
	v9 =	vor.u32 $0x29, v1  }
0x19f: {  	v11 =	vld.idx.msk [tilespmem:v6+s11+$0x0], $0xffff  }
0x1a0: {  	v2 =	vadd.f32 v3, v2;
	v3 =	vmul.f32 v5, v12;
	v5 =	vld.idx.msk [tilespmem:v6+s12+$0x0], $0xffff;
	v6 =	vor.u32 $0x2A, v1  }
0x1a1: {  	v12 =	vld.idx.msk [tilespmem:v8+s11+$0x0], $0xffff  }
0x1a2: {  	v2 =	vadd.f32 v3, v2;
	v3 =	vmul.f32 v7, v13;
	v7 =	vld.idx.msk [tilespmem:v8+s12+$0x0], $0xffff;
	v8 =	vor.u32 $0x2B, v1  }
0x1a3: {  	v13 =	vld.idx.msk [tilespmem:v9+s11+$0x0], $0xffff  }
0x1a4: {  	v2 =	vadd.f32 v3, v2;
	v3 =	vmul.f32 v4, v10;
	v4 =	vld.idx.msk [tilespmem:v9+s12+$0x0], $0xffff;
	v9 =	vor.u32 $0x2C, v1  }
0x1a5: {  	v10 =	vld.idx.msk [tilespmem:v6+s11+$0x0], $0xffff  }
0x1a6: {  	v2 =	vadd.f32 v3, v2;
	v3 =	vmul.f32 v5, v11;
	v5 =	vld.idx.msk [tilespmem:v6+s12+$0x0], $0xffff;
	v6 =	vor.u32 $0x2D, v1  }
0x1a7: {  	v11 =	vld.idx.msk [tilespmem:v8+s11+$0x0], $0xffff  }
0x1a8: {  	v2 =	vadd.f32 v3, v2;
	v3 =	vmul.f32 v7, v12;
	v7 =	vld.idx.msk [tilespmem:v8+s12+$0x0], $0xffff;
	v8 =	vor.u32 $0x2E, v1  }
0x1a9: {  	v12 =	vld.idx.msk [tilespmem:v9+s11+$0x0], $0xffff  }
0x1aa: {  	v2 =	vadd.f32 v3, v2;
	v3 =	vmul.f32 v4, v13;
	v4 =	vld.idx.msk [tilespmem:v9+s12+$0x0], $0xffff;
	v9 =	vor.u32 $0x2F, v1  }
0x1ab: {  	v13 =	vld.idx.msk [tilespmem:v6+s11+$0x0], $0xffff  }
0x1ac: {  	v2 =	vadd.f32 v3, v2;
	v3 =	vmul.f32 v5, v10;
	v5 =	vld.idx.msk [tilespmem:v6+s12+$0x0], $0xffff;
	v6 =	vor.u32 $0x30, v1  }
0x1ad: {  	v10 =	vld.idx.msk [tilespmem:v8+s11+$0x0], $0xffff  }
0x1ae: {  	v2 =	vadd.f32 v3, v2;
	v3 =	vmul.f32 v7, v11;
	v7 =	vld.idx.msk [tilespmem:v8+s12+$0x0], $0xffff;
	v8 =	vor.u32 $0x31, v1  }
0x1af: {  	v11 =	vld.idx.msk [tilespmem:v9+s11+$0x0], $0xffff  }
0x1b0: {  	v2 =	vadd.f32 v3, v2;
	v3 =	vmul.f32 v4, v12;
	v4 =	vld.idx.msk [tilespmem:v9+s12+$0x0], $0xffff;
	v9 =	vor.u32 $0x32, v1  }
0x1b1: {  	v12 =	vld.idx.msk [tilespmem:v6+s11+$0x0], $0xffff  }
0x1b2: {  	v2 =	vadd.f32 v3, v2;
	v3 =	vmul.f32 v5, v13;
	v5 =	vld.idx.msk [tilespmem:v6+s12+$0x0], $0xffff;
	v6 =	vor.u32 $0x33, v1  }
0x1b3: {  	v13 =	vld.idx.msk [tilespmem:v8+s11+$0x0], $0xffff  }
0x1b4: {  	v2 =	vadd.f32 v3, v2;
	v3 =	vmul.f32 v7, v10;
	v7 =	vld.idx.msk [tilespmem:v8+s12+$0x0], $0xffff;
	v8 =	vor.u32 $0x34, v1  }
0x1b5: {  	v10 =	vld.idx.msk [tilespmem:v9+s11+$0x0], $0xffff  }
0x1b6: {  	v2 =	vadd.f32 v3, v2;
	v3 =	vmul.f32 v4, v11;
	v4 =	vld.idx.msk [tilespmem:v9+s12+$0x0], $0xffff;
	v9 =	vor.u32 $0x35, v1  }
0x1b7: {  	v11 =	vld.idx.msk [tilespmem:v6+s11+$0x0], $0xffff  }
0x1b8: {  	v2 =	vadd.f32 v3, v2;
	v3 =	vmul.f32 v5, v12;
	v5 =	vld.idx.msk [tilespmem:v6+s12+$0x0], $0xffff;
	v6 =	vor.u32 $0x36, v1  }
0x1b9: {  	v12 =	vld.idx.msk [tilespmem:v8+s11+$0x0], $0xffff  }
0x1ba: {  	v2 =	vadd.f32 v3, v2;
	v3 =	vmul.f32 v7, v13;
	v7 =	vld.idx.msk [tilespmem:v8+s12+$0x0], $0xffff;
	v8 =	vor.u32 $0x37, v1  }
0x1bb: {  	v13 =	vld.idx.msk [tilespmem:v9+s11+$0x0], $0xffff  }
0x1bc: {  	v2 =	vadd.f32 v3, v2;
	v3 =	vmul.f32 v4, v10;
	v4 =	vld.idx.msk [tilespmem:v9+s12+$0x0], $0xffff;
	v9 =	vor.u32 $0x38, v1  }
0x1bd: {  	v10 =	vld.idx.msk [tilespmem:v6+s11+$0x0], $0xffff  }
0x1be: {  	v2 =	vadd.f32 v3, v2;
	v3 =	vmul.f32 v5, v11;
	v5 =	vld.idx.msk [tilespmem:v6+s12+$0x0], $0xffff;
	v6 =	vor.u32 $0x39, v1  }
0x1bf: {  	v11 =	vld.idx.msk [tilespmem:v8+s11+$0x0], $0xffff  }
0x1c0: {  	v2 =	vadd.f32 v3, v2;
	v3 =	vmul.f32 v7, v12;
	v7 =	vld.idx.msk [tilespmem:v8+s12+$0x0], $0xffff;
	v8 =	vor.u32 $0x3A, v1  }
0x1c1: {  	v12 =	vld.idx.msk [tilespmem:v9+s11+$0x0], $0xffff  }
0x1c2: {  	v2 =	vadd.f32 v3, v2;
	v3 =	vmul.f32 v4, v13;
	v4 =	vld.idx.msk [tilespmem:v9+s12+$0x0], $0xffff;
	v9 =	vor.u32 $0x3B, v1  }
0x1c3: {  	v13 =	vld.idx.msk [tilespmem:v6+s11+$0x0], $0xffff  }
0x1c4: {  	v2 =	vadd.f32 v3, v2;
	v3 =	vmul.f32 v5, v10;
	v5 =	vld.idx.msk [tilespmem:v6+s12+$0x0], $0xffff;
	v6 =	vor.u32 $0x3C, v1  }
0x1c5: {  	v10 =	vld.idx.msk [tilespmem:v8+s11+$0x0], $0xffff  }
0x1c6: {  	v2 =	vadd.f32 v3, v2;
	v3 =	vmul.f32 v7, v11;
	v7 =	vld.idx.msk [tilespmem:v8+s12+$0x0], $0xffff;
	v8 =	vor.u32 $0x3D, v1  }
0x1c7: {  	v11 =	vld.idx.msk [tilespmem:v9+s11+$0x0], $0xffff  }
0x1c8: {  	v2 =	vadd.f32 v3, v2;
	v3 =	vmul.f32 v4, v12;
	v4 =	vld.idx.msk [tilespmem:v9+s12+$0x0], $0xffff;
	v9 =	vor.u32 $0x3E, v1  }
0x1c9: {  	v12 =	vld.idx.msk [tilespmem:v6+s11+$0x0], $0xffff  }
0x1ca: {  	v1 =	vor.u32 $0x3F, v1;
	v2 =	vadd.f32 v3, v2;
	v3 =	vmul.f32 v5, v13;
	v5 =	vld.idx.msk [tilespmem:v6+s12+$0x0], $0xffff  }
0x1cb: {  	v6 =	vld.idx.msk [tilespmem:v8+s11+$0x0], $0xffff  }
0x1cc: {  	v2 =	vadd.f32 v3, v2;
	v3 =	vmul.f32 v7, v10;
	v7 =	vld.idx.msk [tilespmem:v8+s12+$0x0], $0xffff  }
0x1cd: {  	v8 =	vld.idx.msk [tilespmem:v9+s11+$0x0], $0xffff  }
0x1ce: {  	v3 =	vadd.f32 v3, v2;
	v4 =	vmul.f32 v4, v11;
	v9 =	vld.idx.msk [tilespmem:v9+s12+$0x0], $0xffff  }
0x1cf: {  	v2 =	vld.idx.msk [tilespmem:v1+s11+$0x0], $0xffff  }
0x1d0: {  	v4 =	vadd.f32 v4, v3;
	v5 =	vmul.f32 v5, v12;
	v3 =	vld.idx.msk [tilespmem:v1+s12+$0x0], $0xffff  }
.Ltmp0:
0x1d1: {  	(pc) =	sbr.rel @p0 .LBB2_2-.Ltmp0, $3  }
0x1d2: {  	v1 =	vadd.f32 v5, v4;
	v4 =	vmul.f32 v7, v6;
	_ =	sdelay $0x1  }
0x1d3: {  	v6 =	vmov s29;
	v4 =	vadd.f32 v4, v1;
	v5 =	vmul.f32 v9, v8  }
0x1d4: {  	s29 =	sadd.s32 $0x10, s29;
	v1 =	vshll.u32 v6, $0x6  }
0x1d5: {  	v1 =	vor.u32 v0, v1;
	v4 =	vadd.f32 v5, v4;
	v2 =	vmul.f32 v3, v2;
	_ =	sdelay $0x1  }
0x1d6: {  	v3 =	vor.u32 $0x1, v1;
	v2 =	vadd.f32 v2, v4  }
0x1d7: {  	s28 =	sadd.s32 $0x10, s28  }
0x1d8: {  	v31 =	vor.u32 $0x2, v1;
	[tilespmem:s28+$0x0] =	vst v2  }
0x1d9: {  	v2 =	vld.idx.msk [tilespmem:v1+s12+$0x0], $0xffff  }
0x1da: {  	v6 =	vor.u32 $0x3, v1;
	v32 =	vld.idx.msk [tilespmem:v1+s11+$0x0], $0xffff  }
0x1db: {  	v7 =	vld.idx.msk [tilespmem:v3+s11+$0x0], $0xffff  }
0x1dc: {  	v8 =	vor.u32 $0x4, v1;
	v3 =	vld.idx.msk [tilespmem:v3+s12+$0x0], $0xffff  }
0x1dd: {  	v9 =	vld.idx.msk [tilespmem:v31+s11+$0x0], $0xffff  }
0x1de: {  	v10 =	vor.u32 $0x5, v1;
	v4 =	vld.idx.msk [tilespmem:v31+s12+$0x0], $0xffff  }
0x1df: {  	v11 =	vld.idx.msk [tilespmem:v6+s11+$0x0], $0xffff;
	v2 =	vmul.f32 v2, v32  }
0x1e0: {  	v34 =	vor.u32 $0x6, v1;
	v33 =	vld.idx.msk [tilespmem:v6+s12+$0x0], $0xffff  }
0x1e1: {  	v12 =	vld.idx.msk [tilespmem:v8+s11+$0x0], $0xffff;
	v3 =	vmul.f32 v3, v7;
	v2 =	vadd.f32 $0.0e+00, v2  }
0x1e2: {  	v36 =	vor.u32 $0x7, v1;
	v35 =	vld.idx.msk [tilespmem:v8+s12+$0x0], $0xffff  }
0x1e3: {  	v13 =	vld.idx.msk [tilespmem:v10+s11+$0x0], $0xffff;
	v2 =	vadd.f32 v3, v2;
	v3 =	vmul.f32 v4, v9  }
0x1e4: {  	v38 =	vor.u32 $0x8, v1;
	v37 =	vld.idx.msk [tilespmem:v10+s12+$0x0], $0xffff  }
0x1e5: {  	v39 =	vld.idx.msk [tilespmem:v34+s11+$0x0], $0xffff;
	v2 =	vadd.f32 v3, v2;
	v3 =	vmul.f32 v33, v11  }
0x1e6: {  	v41 =	vor.u32 $0x9, v1;
	v40 =	vld.idx.msk [tilespmem:v34+s12+$0x0], $0xffff  }
0x1e7: {  	v42 =	vld.idx.msk [tilespmem:v36+s11+$0x0], $0xffff;
	v2 =	vadd.f32 v3, v2;
	v3 =	vmul.f32 v35, v12  }
0x1e8: {  	v44 =	vor.u32 $0xA, v1;
	v43 =	vld.idx.msk [tilespmem:v36+s12+$0x0], $0xffff  }
0x1e9: {  	v45 =	vld.idx.msk [tilespmem:v38+s11+$0x0], $0xffff;
	v2 =	vadd.f32 v3, v2;
	v3 =	vmul.f32 v37, v13  }
0x1ea: {  	v47 =	vor.u32 $0xB, v1;
	v46 =	vld.idx.msk [tilespmem:v38+s12+$0x0], $0xffff  }
0x1eb: {  	v48 =	vld.idx.msk [tilespmem:v41+s11+$0x0], $0xffff;
	v2 =	vadd.f32 v3, v2;
	v3 =	vmul.f32 v40, v39  }
0x1ec: {  	v50 =	vor.u32 $0xC, v1;
	v49 =	vld.idx.msk [tilespmem:v41+s12+$0x0], $0xffff  }
0x1ed: {  	v51 =	vld.idx.msk [tilespmem:v44+s11+$0x0], $0xffff;
	v2 =	vadd.f32 v3, v2;
	v3 =	vmul.f32 v43, v42  }
0x1ee: {  	v53 =	vor.u32 $0xD, v1;
	v52 =	vld.idx.msk [tilespmem:v44+s12+$0x0], $0xffff  }
0x1ef: {  	v54 =	vld.idx.msk [tilespmem:v47+s11+$0x0], $0xffff;
	v2 =	vadd.f32 v3, v2;
	v3 =	vmul.f32 v46, v45  }
0x1f0: {  	v56 =	vor.u32 $0xE, v1;
	v55 =	vld.idx.msk [tilespmem:v47+s12+$0x0], $0xffff  }
0x1f1: {  	v57 =	vld.idx.msk [tilespmem:v50+s11+$0x0], $0xffff;
	v2 =	vadd.f32 v3, v2;
	v3 =	vmul.f32 v49, v48  }
0x1f2: {  	v59 =	vor.u32 $0xF, v1;
	v58 =	vld.idx.msk [tilespmem:v50+s12+$0x0], $0xffff  }
0x1f3: {  	v60 =	vld.idx.msk [tilespmem:v53+s11+$0x0], $0xffff;
	v2 =	vadd.f32 v3, v2;
	v3 =	vmul.f32 v52, v51  }
0x1f4: {  	v62 =	vor.u32 $0x10, v1;
	v61 =	vld.idx.msk [tilespmem:v53+s12+$0x0], $0xffff  }
0x1f5: {  	v63 =	vld.idx.msk [tilespmem:v56+s11+$0x0], $0xffff;
	v2 =	vadd.f32 v3, v2;
	v3 =	vmul.f32 v55, v54  }
0x1f6: {  	v17 =	vor.u32 $0x11, v1;
	v16 =	vld.idx.msk [tilespmem:v56+s12+$0x0], $0xffff  }
0x1f7: {  	v18 =	vld.idx.msk [tilespmem:v59+s11+$0x0], $0xffff;
	v2 =	vadd.f32 v3, v2;
	v3 =	vmul.f32 v58, v57  }
0x1f8: {  	v20 =	vor.u32 $0x12, v1;
	v19 =	vld.idx.msk [tilespmem:v59+s12+$0x0], $0xffff  }
0x1f9: {  	v21 =	vld.idx.msk [tilespmem:v62+s11+$0x0], $0xffff;
	v2 =	vadd.f32 v3, v2;
	v3 =	vmul.f32 v61, v60  }
0x1fa: {  	v23 =	vor.u32 $0x13, v1;
	v22 =	vld.idx.msk [tilespmem:v62+s12+$0x0], $0xffff  }
0x1fb: {  	v24 =	vld.idx.msk [tilespmem:v17+s11+$0x0], $0xffff;
	v2 =	vadd.f32 v3, v2;
	v3 =	vmul.f32 v16, v63  }
0x1fc: {  	v26 =	vor.u32 $0x14, v1;
	v25 =	vld.idx.msk [tilespmem:v17+s12+$0x0], $0xffff  }
0x1fd: {  	v27 =	vld.idx.msk [tilespmem:v20+s11+$0x0], $0xffff;
	v2 =	vadd.f32 v3, v2;
	v3 =	vmul.f32 v19, v18  }
0x1fe: {  	v29 =	vor.u32 $0x15, v1;
	v28 =	vld.idx.msk [tilespmem:v20+s12+$0x0], $0xffff  }
0x1ff: {  	v30 =	vld.idx.msk [tilespmem:v23+s11+$0x0], $0xffff;
	v2 =	vadd.f32 v3, v2;
	v3 =	vmul.f32 v22, v21  }
0x200: {  	v31 =	vld.idx.msk [tilespmem:v23+s12+$0x0], $0xffff;
	v32 =	vor.u32 $0x16, v1  }
0x201: {  	v34 =	vld.idx.msk [tilespmem:v26+s12+$0x0], $0xffff;
	v2 =	vadd.f32 v3, v2;
	v3 =	vmul.f32 v25, v24  }
0x202: {  	v33 =	vld.idx.msk [tilespmem:v26+s11+$0x0], $0xffff;
	v35 =	vor.u32 $0x17, v1  }
0x203: {  	v36 =	vld.idx.msk [tilespmem:v29+s11+$0x0], $0xffff;
	v2 =	vadd.f32 v3, v2;
	v3 =	vmul.f32 v28, v27  }
0x204: {  	v38 =	vor.u32 $0x18, v1;
	v37 =	vld.idx.msk [tilespmem:v29+s12+$0x0], $0xffff  }
0x205: {  	v39 =	vld.idx.msk [tilespmem:v32+s11+$0x0], $0xffff;
	v2 =	vadd.f32 v3, v2;
	v3 =	vmul.f32 v31, v30  }
0x206: {  	v41 =	vor.u32 $0x19, v1;
	v40 =	vld.idx.msk [tilespmem:v32+s12+$0x0], $0xffff  }
0x207: {  	v42 =	vld.idx.msk [tilespmem:v35+s11+$0x0], $0xffff;
	v2 =	vadd.f32 v3, v2;
	v3 =	vmul.f32 v34, v33  }
0x208: {  	v44 =	vor.u32 $0x1A, v1;
	v43 =	vld.idx.msk [tilespmem:v35+s12+$0x0], $0xffff  }
0x209: {  	v45 =	vld.idx.msk [tilespmem:v38+s11+$0x0], $0xffff;
	v2 =	vadd.f32 v3, v2;
	v3 =	vmul.f32 v37, v36  }
0x20a: {  	v47 =	vor.u32 $0x1B, v1;
	v46 =	vld.idx.msk [tilespmem:v38+s12+$0x0], $0xffff  }
0x20b: {  	v48 =	vld.idx.msk [tilespmem:v41+s11+$0x0], $0xffff;
	v2 =	vadd.f32 v3, v2;
	v3 =	vmul.f32 v40, v39  }
0x20c: {  	v50 =	vor.u32 $0x1C, v1;
	v49 =	vld.idx.msk [tilespmem:v41+s12+$0x0], $0xffff  }
0x20d: {  	v51 =	vld.idx.msk [tilespmem:v44+s11+$0x0], $0xffff;
	v2 =	vadd.f32 v3, v2;
	v3 =	vmul.f32 v43, v42  }
0x20e: {  	v53 =	vor.u32 $0x1D, v1;
	v52 =	vld.idx.msk [tilespmem:v44+s12+$0x0], $0xffff  }
0x20f: {  	v54 =	vld.idx.msk [tilespmem:v47+s11+$0x0], $0xffff;
	v2 =	vadd.f32 v3, v2;
	v3 =	vmul.f32 v46, v45  }
0x210: {  	v56 =	vor.u32 $0x1E, v1;
	v55 =	vld.idx.msk [tilespmem:v47+s12+$0x0], $0xffff  }
0x211: {  	v57 =	vld.idx.msk [tilespmem:v50+s11+$0x0], $0xffff;
	v2 =	vadd.f32 v3, v2;
	v3 =	vmul.f32 v49, v48  }
0x212: {  	v59 =	vor.u32 $0x1F, v1;
	v58 =	vld.idx.msk [tilespmem:v50+s12+$0x0], $0xffff  }
0x213: {  	v60 =	vld.idx.msk [tilespmem:v53+s11+$0x0], $0xffff;
	v2 =	vadd.f32 v3, v2;
	v3 =	vmul.f32 v52, v51  }
0x214: {  	v62 =	vor.u32 $0x20, v1;
	v61 =	vld.idx.msk [tilespmem:v53+s12+$0x0], $0xffff  }
0x215: {  	v63 =	vld.idx.msk [tilespmem:v56+s11+$0x0], $0xffff;
	v2 =	vadd.f32 v3, v2;
	v3 =	vmul.f32 v55, v54  }
0x216: {  	v17 =	vor.u32 $0x21, v1;
	v16 =	vld.idx.msk [tilespmem:v56+s12+$0x0], $0xffff  }
0x217: {  	v18 =	vld.idx.msk [tilespmem:v59+s11+$0x0], $0xffff;
	v2 =	vadd.f32 v3, v2;
	v3 =	vmul.f32 v58, v57  }
0x218: {  	v20 =	vor.u32 $0x22, v1;
	v19 =	vld.idx.msk [tilespmem:v59+s12+$0x0], $0xffff  }
0x219: {  	v21 =	vld.idx.msk [tilespmem:v62+s11+$0x0], $0xffff;
	v2 =	vadd.f32 v3, v2;
	v3 =	vmul.f32 v61, v60  }
0x21a: {  	v23 =	vor.u32 $0x23, v1;
	v22 =	vld.idx.msk [tilespmem:v62+s12+$0x0], $0xffff  }
0x21b: {  	v24 =	vld.idx.msk [tilespmem:v17+s11+$0x0], $0xffff;
	v2 =	vadd.f32 v3, v2;
	v3 =	vmul.f32 v16, v63  }
0x21c: {  	v26 =	vor.u32 $0x24, v1;
	v25 =	vld.idx.msk [tilespmem:v17+s12+$0x0], $0xffff  }
0x21d: {  	v27 =	vld.idx.msk [tilespmem:v20+s11+$0x0], $0xffff;
	v2 =	vadd.f32 v3, v2;
	v3 =	vmul.f32 v19, v18  }
0x21e: {  	v29 =	vor.u32 $0x25, v1;
	v28 =	vld.idx.msk [tilespmem:v20+s12+$0x0], $0xffff  }
0x21f: {  	v30 =	vld.idx.msk [tilespmem:v23+s11+$0x0], $0xffff;
	v2 =	vadd.f32 v3, v2;
	v3 =	vmul.f32 v22, v21  }
0x220: {  	v32 =	vor.u32 $0x26, v1;
	v31 =	vld.idx.msk [tilespmem:v23+s12+$0x0], $0xffff  }
0x221: {  	v33 =	vld.idx.msk [tilespmem:v26+s11+$0x0], $0xffff;
	v2 =	vadd.f32 v3, v2;
	v3 =	vmul.f32 v25, v24  }
0x222: {  	v35 =	vor.u32 $0x27, v1;
	v34 =	vld.idx.msk [tilespmem:v26+s12+$0x0], $0xffff  }
0x223: {  	v36 =	vld.idx.msk [tilespmem:v29+s11+$0x0], $0xffff;
	v2 =	vadd.f32 v3, v2;
	v3 =	vmul.f32 v28, v27  }
0x224: {  	v38 =	vor.u32 $0x28, v1;
	v37 =	vld.idx.msk [tilespmem:v29+s12+$0x0], $0xffff  }
0x225: {  	v39 =	vld.idx.msk [tilespmem:v32+s11+$0x0], $0xffff;
	v2 =	vadd.f32 v3, v2;
	v3 =	vmul.f32 v31, v30  }
0x226: {  	v41 =	vor.u32 $0x29, v1;
	v40 =	vld.idx.msk [tilespmem:v32+s12+$0x0], $0xffff  }
0x227: {  	v42 =	vld.idx.msk [tilespmem:v35+s11+$0x0], $0xffff;
	v2 =	vadd.f32 v3, v2;
	v3 =	vmul.f32 v34, v33  }
0x228: {  	v44 =	vor.u32 $0x2A, v1;
	v43 =	vld.idx.msk [tilespmem:v35+s12+$0x0], $0xffff  }
0x229: {  	v45 =	vld.idx.msk [tilespmem:v38+s11+$0x0], $0xffff;
	v2 =	vadd.f32 v3, v2;
	v3 =	vmul.f32 v37, v36  }
0x22a: {  	v47 =	vor.u32 $0x2B, v1;
	v46 =	vld.idx.msk [tilespmem:v38+s12+$0x0], $0xffff  }
0x22b: {  	v48 =	vld.idx.msk [tilespmem:v41+s11+$0x0], $0xffff;
	v2 =	vadd.f32 v3, v2;
	v3 =	vmul.f32 v40, v39  }
0x22c: {  	v50 =	vor.u32 $0x2C, v1;
	v49 =	vld.idx.msk [tilespmem:v41+s12+$0x0], $0xffff  }
0x22d: {  	v51 =	vld.idx.msk [tilespmem:v44+s11+$0x0], $0xffff;
	v2 =	vadd.f32 v3, v2;
	v3 =	vmul.f32 v43, v42  }
0x22e: {  	v53 =	vor.u32 $0x2D, v1;
	v52 =	vld.idx.msk [tilespmem:v44+s12+$0x0], $0xffff  }
0x22f: {  	v54 =	vld.idx.msk [tilespmem:v47+s11+$0x0], $0xffff;
	v2 =	vadd.f32 v3, v2;
	v3 =	vmul.f32 v46, v45  }
0x230: {  	v56 =	vor.u32 $0x2E, v1;
	v55 =	vld.idx.msk [tilespmem:v47+s12+$0x0], $0xffff  }
0x231: {  	v57 =	vld.idx.msk [tilespmem:v50+s11+$0x0], $0xffff;
	v2 =	vadd.f32 v3, v2;
	v3 =	vmul.f32 v49, v48  }
0x232: {  	v59 =	vor.u32 $0x2F, v1;
	v58 =	vld.idx.msk [tilespmem:v50+s12+$0x0], $0xffff  }
0x233: {  	v60 =	vld.idx.msk [tilespmem:v53+s11+$0x0], $0xffff;
	v2 =	vadd.f32 v3, v2;
	v3 =	vmul.f32 v52, v51  }
0x234: {  	v62 =	vor.u32 $0x30, v1;
	v61 =	vld.idx.msk [tilespmem:v53+s12+$0x0], $0xffff  }
0x235: {  	v63 =	vld.idx.msk [tilespmem:v56+s11+$0x0], $0xffff;
	v2 =	vadd.f32 v3, v2;
	v3 =	vmul.f32 v55, v54  }
0x236: {  	v17 =	vor.u32 $0x31, v1;
	v16 =	vld.idx.msk [tilespmem:v56+s12+$0x0], $0xffff  }
0x237: {  	v18 =	vld.idx.msk [tilespmem:v59+s11+$0x0], $0xffff;
	v2 =	vadd.f32 v3, v2;
	v3 =	vmul.f32 v58, v57  }
0x238: {  	v20 =	vor.u32 $0x32, v1;
	v19 =	vld.idx.msk [tilespmem:v59+s12+$0x0], $0xffff  }
0x239: {  	v21 =	vld.idx.msk [tilespmem:v62+s11+$0x0], $0xffff;
	v2 =	vadd.f32 v3, v2;
	v3 =	vmul.f32 v61, v60  }
0x23a: {  	v23 =	vor.u32 $0x33, v1;
	v22 =	vld.idx.msk [tilespmem:v62+s12+$0x0], $0xffff  }
0x23b: {  	v24 =	vld.idx.msk [tilespmem:v17+s11+$0x0], $0xffff;
	v2 =	vadd.f32 v3, v2;
	v3 =	vmul.f32 v16, v63  }
0x23c: {  	v26 =	vor.u32 $0x34, v1;
	v25 =	vld.idx.msk [tilespmem:v17+s12+$0x0], $0xffff  }
0x23d: {  	v27 =	vld.idx.msk [tilespmem:v20+s11+$0x0], $0xffff;
	v2 =	vadd.f32 v3, v2;
	v3 =	vmul.f32 v19, v18  }
0x23e: {  	v29 =	vor.u32 $0x35, v1;
	v28 =	vld.idx.msk [tilespmem:v20+s12+$0x0], $0xffff  }
0x23f: {  	v30 =	vld.idx.msk [tilespmem:v23+s11+$0x0], $0xffff;
	v2 =	vadd.f32 v3, v2;
	v3 =	vmul.f32 v22, v21  }
0x240: {  	v32 =	vor.u32 $0x36, v1;
	v31 =	vld.idx.msk [tilespmem:v23+s12+$0x0], $0xffff  }
0x241: {  	v33 =	vld.idx.msk [tilespmem:v26+s11+$0x0], $0xffff;
	v2 =	vadd.f32 v3, v2;
	v3 =	vmul.f32 v25, v24  }
0x242: {  	v35 =	vor.u32 $0x37, v1;
	v34 =	vld.idx.msk [tilespmem:v26+s12+$0x0], $0xffff  }
0x243: {  	v36 =	vld.idx.msk [tilespmem:v29+s11+$0x0], $0xffff;
	v2 =	vadd.f32 v3, v2;
	v3 =	vmul.f32 v28, v27  }
0x244: {  	v38 =	vor.u32 $0x38, v1;
	v37 =	vld.idx.msk [tilespmem:v29+s12+$0x0], $0xffff  }
0x245: {  	v39 =	vld.idx.msk [tilespmem:v32+s11+$0x0], $0xffff;
	v2 =	vadd.f32 v3, v2;
	v3 =	vmul.f32 v31, v30  }
0x246: {  	v41 =	vor.u32 $0x39, v1;
	v40 =	vld.idx.msk [tilespmem:v32+s12+$0x0], $0xffff  }
0x247: {  	v42 =	vld.idx.msk [tilespmem:v35+s11+$0x0], $0xffff;
	v2 =	vadd.f32 v3, v2;
	v3 =	vmul.f32 v34, v33  }
0x248: {  	v44 =	vor.u32 $0x3A, v1;
	v43 =	vld.idx.msk [tilespmem:v35+s12+$0x0], $0xffff  }
0x249: {  	v45 =	vld.idx.msk [tilespmem:v38+s11+$0x0], $0xffff;
	v2 =	vadd.f32 v3, v2;
	v3 =	vmul.f32 v37, v36  }
0x24a: {  	v47 =	vor.u32 $0x3B, v1;
	v46 =	vld.idx.msk [tilespmem:v38+s12+$0x0], $0xffff  }
0x24b: {  	v48 =	vld.idx.msk [tilespmem:v41+s11+$0x0], $0xffff;
	v2 =	vadd.f32 v3, v2;
	v3 =	vmul.f32 v40, v39  }
0x24c: {  	v50 =	vor.u32 $0x3C, v1;
	v49 =	vld.idx.msk [tilespmem:v41+s12+$0x0], $0xffff  }
0x24d: {  	v51 =	vld.idx.msk [tilespmem:v44+s11+$0x0], $0xffff;
	v2 =	vadd.f32 v3, v2;
	v3 =	vmul.f32 v43, v42  }
0x24e: {  	v53 =	vor.u32 $0x3D, v1;
	v52 =	vld.idx.msk [tilespmem:v44+s12+$0x0], $0xffff  }
0x24f: {  	v54 =	vld.idx.msk [tilespmem:v47+s11+$0x0], $0xffff;
	v2 =	vadd.f32 v3, v2;
	v3 =	vmul.f32 v46, v45  }
0x250: {  	v56 =	vor.u32 $0x3E, v1;
	v55 =	vld.idx.msk [tilespmem:v47+s12+$0x0], $0xffff  }
0x251: {  	v57 =	vld.idx.msk [tilespmem:v50+s11+$0x0], $0xffff;
	v2 =	vadd.f32 v3, v2;
	v3 =	vmul.f32 v49, v48  }
0x252: {  	v1 =	vor.u32 $0x3F, v1;
	v58 =	vld.idx.msk [tilespmem:v50+s12+$0x0], $0xffff  }
0x253: {  	v59 =	vld.idx.msk [tilespmem:v53+s11+$0x0], $0xffff;
	v2 =	vadd.f32 v3, v2;
	v3 =	vmul.f32 v52, v51  }
0x254: {  	v60 =	vld.idx.msk [tilespmem:v53+s12+$0x0], $0xffff  }
0x255: {  	v62 =	vld.idx.msk [tilespmem:v56+s12+$0x0], $0xffff;
	v2 =	vadd.f32 v3, v2;
	v3 =	vmul.f32 v55, v54  }
0x256: {  	v61 =	vld.idx.msk [tilespmem:v56+s11+$0x0], $0xffff  }
0x257: {  	v63 =	vld.idx.msk [tilespmem:v1+s11+$0x0], $0xffff;
	v2 =	vadd.f32 v3, v2;
	v3 =	vmul.f32 v58, v57  }
0x258: {  	v1 =	vld.idx.msk [tilespmem:v1+s12+$0x0], $0xffff  }
0x259: {  	v2 =	vadd.f32 v3, v2;
	v3 =	vmul.f32 v60, v59;
	_ =	sdelay $0x1  }
0x25a: {  	v2 =	vadd.f32 v3, v2;
	v3 =	vmul.f32 v62, v61;
	_ =	sdelay $0x1  }
0x25b: {  	v1 =	vmul.f32 v1, v63;
	v2 =	vadd.f32 v3, v2;
	_ =	sdelay $0x1  }
0x25c: {  	s26 =	sadd.s32 $0x1, s26;
	v1 =	vadd.f32 v1, v2  }
0x25d: {  	p0 =	sne.s32 s26, s7;
	s28 =	sadd.s32 $0x10, s28  }
.Ltmp1:
0x25e: {  	[tilespmem:s28+$0x0] =	vst v1;
	(pc) =	sbr.rel @p0 .LBB2_1-.Ltmp1, $4  }
0x25f: {  	[hbm4b:s6+s2] =	stream.linear.scatter [tilespmem:s25], [sflag:$0x2], $0x200, $0x38;
	[tilespmem:$0x10600] =	vst v63  }
0x260: {  	_ =	swait.ge [sflag:s8], $0x200  }
0x261: {  	[sflag:s8] =	ssyncset.done $0x0  }
0x262: {  	[sflag:s8] =	ssyncadd.s32 $0xFFFFFE00  }
0x263: {  	_ =	sfence.sel $0x180000  }
0x264: {  	[bflag:$0x0] =	sbarrier.arrive $0xFFFF  }
0x265: {  	p0 =	sne.s32 s1, $0x0;
	_ =	strace $0x90000047  }
0x266: {  	s0 =	sadd.s32 @!p0 $0x100000, s0;
	[bflag:$0x2] =	sbarrier.arrive $0xFFFF  }
0x267: {  	[sflag:s0] =	ssyncadd.tile.s32 @!p0 $0x1;
	_ =	shalt  }
.Lfunc_end2:
_tile_overlayer_lowered:
.L_overlay_start_2:
0x268: {  	(tag) =	ssettag $0x2  }
0x269: {  	s0 =	rddreg [dreg:$0x0];
	s2 =	stileid.u32  }
0x26a: {  	s1 =	rddreg [dreg:$0x1];
	p0 =	sne.s32 s2, $0x0  }
0x26b: {  	s3 =	rddreg [dreg:$0x2];
	[bflag:$0x3] =	sbarrier.arrive $0xFFFF;
	s2 =	simm.s32 @!p0 $0x1C02  }
0x26c: {  	[timem:s3], [sflag:s2] =	dma.local @!p0 [hbm:s0], s1  }
0x26d: {  	s0 =	simm.s32 @!p0 $0x2  }
0x26e: {  	_ =	swait.ge @!p0 [sflag:s0], s1  }
0x26f: {  	s1 =	ssub.s32 @!p0 $0x0, s1;
	[sflag:s0] =	ssyncset.done @!p0 $0x0  }
0x270: {  	[sflag:s0] =	ssyncadd.s32 @!p0 s1  }
0x271: {  	[bflag:$0x3] =	sbarrier.arrive $0xFFFF  }
0x272: {  	_ =	shalt  }

</sc_bundles>
